<compile_context>
chip_gen: v7x
topology: tpu7x:2x2x1
jax: 0.10.2.dev20260603
libtpu: 0.0.44.dev20260713+nightly
codegen_flags: <defaults>
</compile_context>

<pallas_src>
import functools

import jax
import jax.numpy as jnp
from jax import lax
from jax.experimental import pallas as pl
from jax.experimental.pallas import tpu as pltpu
from jax.experimental.pallas import tpu_sc as plsc

_L = 16

_GDN = jax.lax.GatherDimensionNumbers(
    offset_dims=(), collapsed_slice_dims=(0,), start_index_map=(0,))


def _allsum(v):
    for shift in (8, 4, 2, 1):
        idx = (lax.iota(jnp.int32, _L) + shift) & (_L - 1)
        rot = lax.gather(v, idx[:, None], _GDN, (1,),
                         mode=lax.GatherScatterMode.PROMISE_IN_BOUNDS)
        v = v + rot
    return v


def _rsqrt(v):
    i = lax.bitcast_convert_type(v, jnp.int32)
    i = jnp.int32(0x5F3759DF) - (i >> 1)
    y = lax.bitcast_convert_type(i, jnp.float32)
    for _ in range(3):
        y = y * (1.5 - 0.5 * v * y * y)
    return y


def kernel(x, mask):
    b, c, h, w = x.shape
    hw = h * w
    nrows = b * c
    x2 = x.reshape(nrows, hw)
    m2 = mask.reshape(b, hw)

    nw = 32
    rpw = nrows // nw
    rows_per_batch = c
    nchunk = hw // _L

    mesh = plsc.VectorSubcoreMesh(
        core_axis_name="c", subcore_axis_name="s", num_cores=2, num_subcores=16
    )

    @functools.partial(
        pl.kernel,
        out_type=jax.ShapeDtypeStruct((nrows, hw), jnp.float32),
        mesh=mesh,
        scratch_types=[
            pltpu.VMEM((hw,), jnp.float32),
            pltpu.VMEM((hw,), jnp.float32),
            pltpu.SemaphoreType.DMA,
        ],
    )
    def k(x_hbm, m_hbm, o_hbm, m_v, x_v, sem):
        wid = lax.axis_index("s") * 2 + lax.axis_index("c")
        base = wid * rpw
        bidx = base // rows_per_batch
        pltpu.sync_copy(m_hbm.at[bidx], m_v)

        unroll = 8

        def count_body(t, acc):
            for u in range(unroll):
                m = m_v[pl.ds((t * unroll + u) * _L, _L)]
                acc = acc + jnp.where(m >= 0.5, 1.0, 0.0)
            return acc

        nf_vec = lax.fori_loop(
            0, nchunk // unroll, count_body, jnp.zeros((_L,), jnp.float32))
        n_fg = _allsum(nf_vec)
        n_bg = float(hw) - n_fg

        def row_body(r, carry):
            row = base + r
            pltpu.sync_copy(x_hbm.at[row], x_v)

            def stats_body(t, ac):
                sa, qa, sf, qf = ac
                for u in range(unroll):
                    xc = x_v[pl.ds((t * unroll + u) * _L, _L)]
                    m = m_v[pl.ds((t * unroll + u) * _L, _L)]
                    fgm = m >= 0.5
                    sq = xc * xc
                    sa = sa + xc
                    qa = qa + sq
                    sf = sf + jnp.where(fgm, xc, 0.0)
                    qf = qf + jnp.where(fgm, sq, 0.0)
                return (sa, qa, sf, qf)

            z = jnp.zeros((_L,), jnp.float32)
            sa, qa, sf, qf = lax.fori_loop(
                0, nchunk // unroll, stats_body, (z, z, z, z))
            s_all = _allsum(sa)
            q_all = _allsum(qa)
            s_fg = _allsum(sf)
            q_fg = _allsum(qf)

            mu_fg = s_fg / n_fg
            mu_bg = (s_all - s_fg) / n_bg
            var_fg = (q_fg - n_fg * mu_fg * mu_fg) / (n_fg - 1.0)
            var_bg = ((q_all - q_fg) - n_bg * mu_bg * mu_bg) / (n_bg - 1.0)
            sig_fg = var_fg * _rsqrt(var_fg)
            sig_bg = var_bg * _rsqrt(var_bg)
            scale = sig_fg / (sig_bg + 1e-8)
            shift = mu_fg - scale * mu_bg

            def write_body(t, _):
                for u in range(unroll):
                    xc = x_v[pl.ds((t * unroll + u) * _L, _L)]
                    m = m_v[pl.ds((t * unroll + u) * _L, _L)]
                    y = xc * scale + shift
                    x_v[pl.ds((t * unroll + u) * _L, _L)] = jnp.where(
                        m >= 0.5, xc, y)
                return 0

            lax.fori_loop(0, nchunk // unroll, write_body, 0)
            pltpu.sync_copy(x_v, o_hbm.at[row])
            return carry

        lax.fori_loop(0, rpw, row_body, 0)

    out = k(x2, m2)
    return out.reshape(b, c, h, w)

# --- scband reference (transcript-rebuilt; emitter-appended) ---
"""Pipeline reference for scband-masked-light-ada-in-78477642432611 (READ-ONLY COPY).

The authoritative reference and input builder live on the scoring server;
editing this copy changes nothing except your own understanding.
"""

import jax, jax.numpy as jnp
import numpy as np


def setup_inputs(seed: int = 0) -> dict:
    key = jax.random.key(seed)
    k1, k2 = jax.random.split(key)
    x = jax.random.normal(k1, (4, 192, 224, 224), dtype=jnp.float32)
    mask = jax.random.uniform(k2, (4, 1, 224, 224), dtype=jnp.float32)
    return {"x": x, "mask": mask}


def reference(x, mask):
    # mask: [B,1,H,W], broadcast across channels, matching the torch loop
    fg = (mask >= 0.5).astype(x.dtype)   # [B,1,H,W]
    bg = 1.0 - fg
    n_fg = jnp.sum(fg, axis=(2, 3), keepdims=True)   # [B,1,1,1]
    n_bg = jnp.sum(bg, axis=(2, 3), keepdims=True)
    mu_fg = jnp.sum(x * fg, axis=(2, 3), keepdims=True) / n_fg   # [B,C,1,1]
    mu_bg = jnp.sum(x * bg, axis=(2, 3), keepdims=True) / n_bg
    # torch.std uses Bessel's correction (unbiased, ddof=1)
    var_fg = jnp.sum(((x - mu_fg) ** 2) * fg, axis=(2, 3), keepdims=True) / (n_fg - 1.0)
    var_bg = jnp.sum(((x - mu_bg) ** 2) * bg, axis=(2, 3), keepdims=True) / (n_bg - 1.0)
    sigma_fg = jnp.sqrt(var_fg)
    sigma_bg = jnp.sqrt(var_bg)
    new_bg = (x - mu_bg) / (sigma_bg + 1e-08) * sigma_fg + mu_fg
    return jnp.where(mask >= 0.5, x, new_bg)

if __name__ == "__main__":
    import jax
    _d = setup_inputs()
    print(jax.jit(kernel)(*tuple(_d.values())))

</pallas_src>

<mosaic_0001>
#map = affine_map<(d0, d1) -> (0, 0)>
module attributes {stable_mosaic.version = 14 : i64} {
  func.func @k(%arg0: i32, %arg1: i32, %arg2: memref<768x50176xf32, #tpu.memory_space<hbm>>, %arg3: memref<4x50176xf32, #tpu.memory_space<hbm>>, %arg4: memref<768x50176xf32, #tpu.memory_space<hbm>>, %arg5: memref<50176xf32, #tpu.memory_space<vmem>>, %arg6: memref<50176xf32, #tpu.memory_space<vmem>>, %arg7: memref<!tpu.dma_semaphore, #tpu.memory_space<semaphore_mem>>) attributes {dimension_semantics = [#tpu.dimension_semantics<core_parallel>, #tpu.dimension_semantics<subcore_parallel>], iteration_bounds = array<i64: 2, 16>, scalar_prefetch = 0 : i64, scratch_operands = 3 : i64, tpu.core_type = #tpu.core_type<sc_vector_subcore>, window_params = [{transform_indices = #map}, {transform_indices = #map}, {transform_indices = #map}]} {
    %mul3A = arith.constant 2 : i32
    %mul3A_0 = arith.muli %arg1, %mul3A : i32
    %add3A = arith.addi %mul3A_0, %arg0 : i32
    %mul3A_1 = arith.constant 24 : i32
    %mul3A_2 = arith.muli %add3A, %mul3A_1 : i32
    %jit3A = arith.constant 192 : i32
    %div3A = arith.divsi %mul3A_2, %jit3A : i32
    %sign3A = arith.constant 0 : i32
    %sign3A_3 = arith.cmpi sgt, %mul3A_2, %sign3A : i32
    %sign3A_4 = arith.extui %sign3A_3 : i1 to i32
    %sign3A_5 = arith.constant 0 : i32
    %sign3A_6 = arith.cmpi slt, %mul3A_2, %sign3A_5 : i32
    %sign3A_7 = arith.extui %sign3A_6 : i1 to i32
    %sign3A_8 = arith.subi %sign3A_4, %sign3A_7 : i32
    %sign3A_9 = arith.constant 0 : i32
    %sign3A_10 = arith.cmpi sgt, %jit3A, %sign3A_9 : i32
    %sign3A_11 = arith.extui %sign3A_10 : i1 to i32
    %sign3A_12 = arith.constant 0 : i32
    %sign3A_13 = arith.cmpi slt, %jit3A, %sign3A_12 : i32
    %sign3A_14 = arith.extui %sign3A_13 : i1 to i32
    %sign3A_15 = arith.subi %sign3A_11, %sign3A_14 : i32
    %ne3A = arith.cmpi ne, %sign3A_8, %sign3A_15 : i32
    %rem3A = arith.remsi %mul3A_2, %jit3A : i32
    %ne3A_16 = arith.constant 0 : i32
    %ne3A_17 = arith.cmpi ne, %rem3A, %ne3A_16 : i32
    %and3A = arith.andi %ne3A, %ne3A_17 : i1
    %sub3A = arith.constant 1 : i32
    %sub3A_18 = arith.subi %div3A, %sub3A : i32
    %select_n3A = arith.select %and3A, %sub3A_18, %div3A : i32
    "tpu.region"() ({
      %run_scoped3A = tpu.sem_alloc : memref<!tpu.dma_semaphore, #tpu.memory_space<semaphore_mem>>
      %dma_start3A = arith.constant 0 : i32
      %dma_start3A_76 = tpu.memref_slice %arg3[%select_n3A, %dma_start3A] : memref<4x50176xf32, #tpu.memory_space<hbm>> -> memref<1x50176xf32, #tpu.memory_space<hbm>>
      %dma_start3A_77 = tpu.memref_squeeze %dma_start3A_76 : memref<1x50176xf32, #tpu.memory_space<hbm>> -> memref<50176xf32, #tpu.memory_space<hbm>>
      %dma_start3A_78 = arith.constant 0 : i32
      %dma_start3A_79 = tpu.memref_slice %arg3[%select_n3A, %dma_start3A_78] : memref<4x50176xf32, #tpu.memory_space<hbm>> -> memref<1x50176xf32, #tpu.memory_space<hbm>>
      %dma_start3A_80 = tpu.memref_squeeze %dma_start3A_79 : memref<1x50176xf32, #tpu.memory_space<hbm>> -> memref<50176xf32, #tpu.memory_space<hbm>>
      tpu.enqueue_dma source(%dma_start3A_80 : memref<50176xf32, #tpu.memory_space<hbm>>) target(%arg5 : memref<50176xf32, #tpu.memory_space<vmem>>) target_semaphore(%run_scoped3A : memref<!tpu.dma_semaphore, #tpu.memory_space<semaphore_mem>>)
      %dma_wait3A = arith.constant 0 : i32
      %dma_wait3A_81 = tpu.memref_slice %arg3[%select_n3A, %dma_wait3A] : memref<4x50176xf32, #tpu.memory_space<hbm>> -> memref<1x50176xf32, #tpu.memory_space<hbm>>
      %dma_wait3A_82 = tpu.memref_squeeze %dma_wait3A_81 : memref<1x50176xf32, #tpu.memory_space<hbm>> -> memref<50176xf32, #tpu.memory_space<hbm>>
      %dma_wait3A_83 = arith.constant 0 : i32
      %dma_wait3A_84 = tpu.memref_slice %arg3[%select_n3A, %dma_wait3A_83] : memref<4x50176xf32, #tpu.memory_space<hbm>> -> memref<1x50176xf32, #tpu.memory_space<hbm>>
      %dma_wait3A_85 = tpu.memref_squeeze %dma_wait3A_84 : memref<1x50176xf32, #tpu.memory_space<hbm>> -> memref<50176xf32, #tpu.memory_space<hbm>>
      tpu.wait_dma2 semaphore(%run_scoped3A : memref<!tpu.dma_semaphore, #tpu.memory_space<semaphore_mem>>) src(%dma_wait3A_85 : memref<50176xf32, #tpu.memory_space<hbm>>) dst(%arg5 : memref<50176xf32, #tpu.memory_space<vmem>>)
      tpu.yield
    }) : () -> ()
    %broadcast_in_dim3A = arith.constant 0.000000e+00 : f32
    %broadcast_in_dim3A_19 = vector.broadcast %broadcast_in_dim3A : f32 to vector<16xf32>
    %scan3A = arith.constant 0 : i32
    %scan3A_20 = arith.constant 392 : i32
    %scan3A_21 = arith.addi %scan3A, %scan3A_20 : i32
    %scan3A_22 = arith.constant 1 : i32
    %scan3A_23 = scf.for %scan3A_76 = %scan3A to %scan3A_21 step %scan3A_22 iter_args(%scan3A_77 = %broadcast_in_dim3A_19) -> (vector<16xf32>)  : i32 {
      %mul3A_78 = arith.constant 8 : i32
      %mul3A_79 = arith.muli %scan3A_76, %mul3A_78 : i32
      %add3A_80 = arith.constant 0 : i32
      %add3A_81 = arith.addi %mul3A_79, %add3A_80 : i32
      %mul3A_82 = arith.constant 16 : i32
      %mul3A_83 = arith.muli %add3A_81, %mul3A_82 : i32
      %get3A = arith.index_cast %mul3A_83 : i32 to index
      %get3A_84 = tpu.vector_load %arg5[%get3A] {strides = array<i32>} : memref<50176xf32, #tpu.memory_space<vmem>>, vector<16xf32>,
      %get3A_85 = vector.shape_cast %get3A_84 : vector<16xf32> to vector<16xf32>
      %ge3A = arith.constant 5.000000e-01 : f32
      %ge3A_86 = vector.broadcast %ge3A : f32 to vector<16xf32>
      %ge3A_87 = arith.cmpf oge, %get3A_85, %ge3A_86 : vector<16xf32>
      %jit3A_88 = arith.constant 1.000000e+00 : f32
      %jit3A_89 = arith.constant 0.000000e+00 : f32
      %broadcast_in_dim3A_90 = vector.broadcast %jit3A_88 : f32 to vector<16xf32>
      %broadcast_in_dim3A_91 = vector.broadcast %jit3A_89 : f32 to vector<16xf32>
      %select_n3A_92 = arith.select %ge3A_87, %broadcast_in_dim3A_90, %broadcast_in_dim3A_91 : vector<16xi1>, vector<16xf32>
      %add3A_93 = arith.addf %scan3A_77, %select_n3A_92 : vector<16xf32>
      %mul3A_94 = arith.constant 8 : i32
      %mul3A_95 = arith.muli %scan3A_76, %mul3A_94 : i32
      %add3A_96 = arith.constant 1 : i32
      %add3A_97 = arith.addi %mul3A_95, %add3A_96 : i32
      %mul3A_98 = arith.constant 16 : i32
      %mul3A_99 = arith.muli %add3A_97, %mul3A_98 : i32
      %get3A_100 = arith.index_cast %mul3A_99 : i32 to index
      %get3A_101 = tpu.vector_load %arg5[%get3A_100] {strides = array<i32>} : memref<50176xf32, #tpu.memory_space<vmem>>, vector<16xf32>,
      %get3A_102 = vector.shape_cast %get3A_101 : vector<16xf32> to vector<16xf32>
      %ge3A_103 = arith.constant 5.000000e-01 : f32
      %ge3A_104 = vector.broadcast %ge3A_103 : f32 to vector<16xf32>
      %ge3A_105 = arith.cmpf oge, %get3A_102, %ge3A_104 : vector<16xf32>
      %jit3A_106 = arith.constant 1.000000e+00 : f32
      %jit3A_107 = arith.constant 0.000000e+00 : f32
      %broadcast_in_dim3A_108 = vector.broadcast %jit3A_106 : f32 to vector<16xf32>
      %broadcast_in_dim3A_109 = vector.broadcast %jit3A_107 : f32 to vector<16xf32>
      %select_n3A_110 = arith.select %ge3A_105, %broadcast_in_dim3A_108, %broadcast_in_dim3A_109 : vector<16xi1>, vector<16xf32>
      %add3A_111 = arith.addf %add3A_93, %select_n3A_110 : vector<16xf32>
      %mul3A_112 = arith.constant 8 : i32
      %mul3A_113 = arith.muli %scan3A_76, %mul3A_112 : i32
      %add3A_114 = arith.constant 2 : i32
      %add3A_115 = arith.addi %mul3A_113, %add3A_114 : i32
      %mul3A_116 = arith.constant 16 : i32
      %mul3A_117 = arith.muli %add3A_115, %mul3A_116 : i32
      %get3A_118 = arith.index_cast %mul3A_117 : i32 to index
      %get3A_119 = tpu.vector_load %arg5[%get3A_118] {strides = array<i32>} : memref<50176xf32, #tpu.memory_space<vmem>>, vector<16xf32>,
      %get3A_120 = vector.shape_cast %get3A_119 : vector<16xf32> to vector<16xf32>
      %ge3A_121 = arith.constant 5.000000e-01 : f32
      %ge3A_122 = vector.broadcast %ge3A_121 : f32 to vector<16xf32>
      %ge3A_123 = arith.cmpf oge, %get3A_120, %ge3A_122 : vector<16xf32>
      %jit3A_124 = arith.constant 1.000000e+00 : f32
      %jit3A_125 = arith.constant 0.000000e+00 : f32
      %broadcast_in_dim3A_126 = vector.broadcast %jit3A_124 : f32 to vector<16xf32>
      %broadcast_in_dim3A_127 = vector.broadcast %jit3A_125 : f32 to vector<16xf32>
      %select_n3A_128 = arith.select %ge3A_123, %broadcast_in_dim3A_126, %broadcast_in_dim3A_127 : vector<16xi1>, vector<16xf32>
      %add3A_129 = arith.addf %add3A_111, %select_n3A_128 : vector<16xf32>
      %mul3A_130 = arith.constant 8 : i32
      %mul3A_131 = arith.muli %scan3A_76, %mul3A_130 : i32
      %add3A_132 = arith.constant 3 : i32
      %add3A_133 = arith.addi %mul3A_131, %add3A_132 : i32
      %mul3A_134 = arith.constant 16 : i32
      %mul3A_135 = arith.muli %add3A_133, %mul3A_134 : i32
      %get3A_136 = arith.index_cast %mul3A_135 : i32 to index
      %get3A_137 = tpu.vector_load %arg5[%get3A_136] {strides = array<i32>} : memref<50176xf32, #tpu.memory_space<vmem>>, vector<16xf32>,
      %get3A_138 = vector.shape_cast %get3A_137 : vector<16xf32> to vector<16xf32>
      %ge3A_139 = arith.constant 5.000000e-01 : f32
      %ge3A_140 = vector.broadcast %ge3A_139 : f32 to vector<16xf32>
      %ge3A_141 = arith.cmpf oge, %get3A_138, %ge3A_140 : vector<16xf32>
      %jit3A_142 = arith.constant 1.000000e+00 : f32
      %jit3A_143 = arith.constant 0.000000e+00 : f32
      %broadcast_in_dim3A_144 = vector.broadcast %jit3A_142 : f32 to vector<16xf32>
      %broadcast_in_dim3A_145 = vector.broadcast %jit3A_143 : f32 to vector<16xf32>
      %select_n3A_146 = arith.select %ge3A_141, %broadcast_in_dim3A_144, %broadcast_in_dim3A_145 : vector<16xi1>, vector<16xf32>
      %add3A_147 = arith.addf %add3A_129, %select_n3A_146 : vector<16xf32>
      %mul3A_148 = arith.constant 8 : i32
      %mul3A_149 = arith.muli %scan3A_76, %mul3A_148 : i32
      %add3A_150 = arith.constant 4 : i32
      %add3A_151 = arith.addi %mul3A_149, %add3A_150 : i32
      %mul3A_152 = arith.constant 16 : i32
      %mul3A_153 = arith.muli %add3A_151, %mul3A_152 : i32
      %get3A_154 = arith.index_cast %mul3A_153 : i32 to index
      %get3A_155 = tpu.vector_load %arg5[%get3A_154] {strides = array<i32>} : memref<50176xf32, #tpu.memory_space<vmem>>, vector<16xf32>,
      %get3A_156 = vector.shape_cast %get3A_155 : vector<16xf32> to vector<16xf32>
      %ge3A_157 = arith.constant 5.000000e-01 : f32
      %ge3A_158 = vector.broadcast %ge3A_157 : f32 to vector<16xf32>
      %ge3A_159 = arith.cmpf oge, %get3A_156, %ge3A_158 : vector<16xf32>
      %jit3A_160 = arith.constant 1.000000e+00 : f32
      %jit3A_161 = arith.constant 0.000000e+00 : f32
      %broadcast_in_dim3A_162 = vector.broadcast %jit3A_160 : f32 to vector<16xf32>
      %broadcast_in_dim3A_163 = vector.broadcast %jit3A_161 : f32 to vector<16xf32>
      %select_n3A_164 = arith.select %ge3A_159, %broadcast_in_dim3A_162, %broadcast_in_dim3A_163 : vector<16xi1>, vector<16xf32>
      %add3A_165 = arith.addf %add3A_147, %select_n3A_164 : vector<16xf32>
      %mul3A_166 = arith.constant 8 : i32
      %mul3A_167 = arith.muli %scan3A_76, %mul3A_166 : i32
      %add3A_168 = arith.constant 5 : i32
      %add3A_169 = arith.addi %mul3A_167, %add3A_168 : i32
      %mul3A_170 = arith.constant 16 : i32
      %mul3A_171 = arith.muli %add3A_169, %mul3A_170 : i32
      %get3A_172 = arith.index_cast %mul3A_171 : i32 to index
      %get3A_173 = tpu.vector_load %arg5[%get3A_172] {strides = array<i32>} : memref<50176xf32, #tpu.memory_space<vmem>>, vector<16xf32>,
      %get3A_174 = vector.shape_cast %get3A_173 : vector<16xf32> to vector<16xf32>
      %ge3A_175 = arith.constant 5.000000e-01 : f32
      %ge3A_176 = vector.broadcast %ge3A_175 : f32 to vector<16xf32>
      %ge3A_177 = arith.cmpf oge, %get3A_174, %ge3A_176 : vector<16xf32>
      %jit3A_178 = arith.constant 1.000000e+00 : f32
      %jit3A_179 = arith.constant 0.000000e+00 : f32
      %broadcast_in_dim3A_180 = vector.broadcast %jit3A_178 : f32 to vector<16xf32>
      %broadcast_in_dim3A_181 = vector.broadcast %jit3A_179 : f32 to vector<16xf32>
      %select_n3A_182 = arith.select %ge3A_177, %broadcast_in_dim3A_180, %broadcast_in_dim3A_181 : vector<16xi1>, vector<16xf32>
      %add3A_183 = arith.addf %add3A_165, %select_n3A_182 : vector<16xf32>
      %mul3A_184 = arith.constant 8 : i32
      %mul3A_185 = arith.muli %scan3A_76, %mul3A_184 : i32
      %add3A_186 = arith.constant 6 : i32
      %add3A_187 = arith.addi %mul3A_185, %add3A_186 : i32
      %mul3A_188 = arith.constant 16 : i32
      %mul3A_189 = arith.muli %add3A_187, %mul3A_188 : i32
      %get3A_190 = arith.index_cast %mul3A_189 : i32 to index
      %get3A_191 = tpu.vector_load %arg5[%get3A_190] {strides = array<i32>} : memref<50176xf32, #tpu.memory_space<vmem>>, vector<16xf32>,
      %get3A_192 = vector.shape_cast %get3A_191 : vector<16xf32> to vector<16xf32>
      %ge3A_193 = arith.constant 5.000000e-01 : f32
      %ge3A_194 = vector.broadcast %ge3A_193 : f32 to vector<16xf32>
      %ge3A_195 = arith.cmpf oge, %get3A_192, %ge3A_194 : vector<16xf32>
      %jit3A_196 = arith.constant 1.000000e+00 : f32
      %jit3A_197 = arith.constant 0.000000e+00 : f32
      %broadcast_in_dim3A_198 = vector.broadcast %jit3A_196 : f32 to vector<16xf32>
      %broadcast_in_dim3A_199 = vector.broadcast %jit3A_197 : f32 to vector<16xf32>
      %select_n3A_200 = arith.select %ge3A_195, %broadcast_in_dim3A_198, %broadcast_in_dim3A_199 : vector<16xi1>, vector<16xf32>
      %add3A_201 = arith.addf %add3A_183, %select_n3A_200 : vector<16xf32>
      %mul3A_202 = arith.constant 8 : i32
      %mul3A_203 = arith.muli %scan3A_76, %mul3A_202 : i32
      %add3A_204 = arith.constant 7 : i32
      %add3A_205 = arith.addi %mul3A_203, %add3A_204 : i32
      %mul3A_206 = arith.constant 16 : i32
      %mul3A_207 = arith.muli %add3A_205, %mul3A_206 : i32
      %get3A_208 = arith.index_cast %mul3A_207 : i32 to index
      %get3A_209 = tpu.vector_load %arg5[%get3A_208] {strides = array<i32>} : memref<50176xf32, #tpu.memory_space<vmem>>, vector<16xf32>,
      %get3A_210 = vector.shape_cast %get3A_209 : vector<16xf32> to vector<16xf32>
      %ge3A_211 = arith.constant 5.000000e-01 : f32
      %ge3A_212 = vector.broadcast %ge3A_211 : f32 to vector<16xf32>
      %ge3A_213 = arith.cmpf oge, %get3A_210, %ge3A_212 : vector<16xf32>
      %jit3A_214 = arith.constant 1.000000e+00 : f32
      %jit3A_215 = arith.constant 0.000000e+00 : f32
      %broadcast_in_dim3A_216 = vector.broadcast %jit3A_214 : f32 to vector<16xf32>
      %broadcast_in_dim3A_217 = vector.broadcast %jit3A_215 : f32 to vector<16xf32>
      %select_n3A_218 = arith.select %ge3A_213, %broadcast_in_dim3A_216, %broadcast_in_dim3A_217 : vector<16xi1>, vector<16xf32>
      %add3A_219 = arith.addf %add3A_201, %select_n3A_218 : vector<16xf32>
      scf.yield %add3A_219 : vector<16xf32>
    }
    %scan3A_24 = arith.constant 392 : i32
    %iota3A = tpu.iota {dimensions = array<i32: 0>} : vector<16xi32>
    %add3A_25 = arith.constant 8 : i32
    %add3A_26 = vector.broadcast %add3A_25 : i32 to vector<16xi32>
    %add3A_27 = arith.addi %iota3A, %add3A_26 : vector<16xi32>
    %and3A_28 = arith.constant 15 : i32
    %and3A_29 = vector.broadcast %and3A_28 : i32 to vector<16xi32>
    %and3A_30 = arith.andi %add3A_27, %and3A_29 : vector<16xi32>
    %broadcast_in_dim3A_31 = vector.shape_cast %and3A_30 : vector<16xi32> to vector<16x1xi32>
    %gather3A = vector.shape_cast %broadcast_in_dim3A_31 : vector<16x1xi32> to vector<16xi32>
    %gather3A_32 = tpu.dynamic_gather %scan3A_23[%gather3A] in [0] : vector<16xf32>, vector<16xi32> -> vector<16xf32>
    %add3A_33 = arith.addf %scan3A_23, %gather3A_32 : vector<16xf32>
    %iota3A_34 = tpu.iota {dimensions = array<i32: 0>} : vector<16xi32>
    %add3A_35 = arith.constant 4 : i32
    %add3A_36 = vector.broadcast %add3A_35 : i32 to vector<16xi32>
    %add3A_37 = arith.addi %iota3A_34, %add3A_36 : vector<16xi32>
    %and3A_38 = arith.constant 15 : i32
    %and3A_39 = vector.broadcast %and3A_38 : i32 to vector<16xi32>
    %and3A_40 = arith.andi %add3A_37, %and3A_39 : vector<16xi32>
    %broadcast_in_dim3A_41 = vector.shape_cast %and3A_40 : vector<16xi32> to vector<16x1xi32>
    %gather3A_42 = vector.shape_cast %broadcast_in_dim3A_41 : vector<16x1xi32> to vector<16xi32>
    %gather3A_43 = tpu.dynamic_gather %add3A_33[%gather3A_42] in [0] : vector<16xf32>, vector<16xi32> -> vector<16xf32>
    %add3A_44 = arith.addf %add3A_33, %gather3A_43 : vector<16xf32>
    %iota3A_45 = tpu.iota {dimensions = array<i32: 0>} : vector<16xi32>
    %add3A_46 = arith.constant 2 : i32
    %add3A_47 = vector.broadcast %add3A_46 : i32 to vector<16xi32>
    %add3A_48 = arith.addi %iota3A_45, %add3A_47 : vector<16xi32>
    %and3A_49 = arith.constant 15 : i32
    %and3A_50 = vector.broadcast %and3A_49 : i32 to vector<16xi32>
    %and3A_51 = arith.andi %add3A_48, %and3A_50 : vector<16xi32>
    %broadcast_in_dim3A_52 = vector.shape_cast %and3A_51 : vector<16xi32> to vector<16x1xi32>
    %gather3A_53 = vector.shape_cast %broadcast_in_dim3A_52 : vector<16x1xi32> to vector<16xi32>
    %gather3A_54 = tpu.dynamic_gather %add3A_44[%gather3A_53] in [0] : vector<16xf32>, vector<16xi32> -> vector<16xf32>
    %add3A_55 = arith.addf %add3A_44, %gather3A_54 : vector<16xf32>
    %iota3A_56 = tpu.iota {dimensions = array<i32: 0>} : vector<16xi32>
    %add3A_57 = arith.constant 1 : i32
    %add3A_58 = vector.broadcast %add3A_57 : i32 to vector<16xi32>
    %add3A_59 = arith.addi %iota3A_56, %add3A_58 : vector<16xi32>
    %and3A_60 = arith.constant 15 : i32
    %and3A_61 = vector.broadcast %and3A_60 : i32 to vector<16xi32>
    %and3A_62 = arith.andi %add3A_59, %and3A_61 : vector<16xi32>
    %broadcast_in_dim3A_63 = vector.shape_cast %and3A_62 : vector<16xi32> to vector<16x1xi32>
    %gather3A_64 = vector.shape_cast %broadcast_in_dim3A_63 : vector<16x1xi32> to vector<16xi32>
    %gather3A_65 = tpu.dynamic_gather %add3A_55[%gather3A_64] in [0] : vector<16xf32>, vector<16xi32> -> vector<16xf32>
    %add3A_66 = arith.addf %add3A_55, %gather3A_65 : vector<16xf32>
    %sub3A_67 = arith.constant 5.017600e+04 : f32
    %sub3A_68 = vector.broadcast %sub3A_67 : f32 to vector<16xf32>
    %sub3A_69 = arith.subf %sub3A_68, %add3A_66 : vector<16xf32>
    %scan3A_70 = arith.constant 0 : i32
    %scan3A_71 = arith.constant 0 : i32
    %scan3A_72 = arith.constant 24 : i32
    %scan3A_73 = arith.addi %scan3A_71, %scan3A_72 : i32
    %scan3A_74 = arith.constant 1 : i32
    scf.for %scan3A_76 = %scan3A_71 to %scan3A_73 step %scan3A_74  : i32 {
      %add3A_77 = arith.addi %mul3A_2, %scan3A_76 : i32
      "tpu.region"() ({
        %run_scoped3A = tpu.sem_alloc : memref<!tpu.dma_semaphore, #tpu.memory_space<semaphore_mem>>
        %dma_start3A = arith.constant 0 : i32
        %dma_start3A_363 = tpu.memref_slice %arg2[%add3A_77, %dma_start3A] : memref<768x50176xf32, #tpu.memory_space<hbm>> -> memref<1x50176xf32, #tpu.memory_space<hbm>>
        %dma_start3A_364 = tpu.memref_squeeze %dma_start3A_363 : memref<1x50176xf32, #tpu.memory_space<hbm>> -> memref<50176xf32, #tpu.memory_space<hbm>>
        %dma_start3A_365 = arith.constant 0 : i32
        %dma_start3A_366 = tpu.memref_slice %arg2[%add3A_77, %dma_start3A_365] : memref<768x50176xf32, #tpu.memory_space<hbm>> -> memref<1x50176xf32, #tpu.memory_space<hbm>>
        %dma_start3A_367 = tpu.memref_squeeze %dma_start3A_366 : memref<1x50176xf32, #tpu.memory_space<hbm>> -> memref<50176xf32, #tpu.memory_space<hbm>>
        tpu.enqueue_dma source(%dma_start3A_367 : memref<50176xf32, #tpu.memory_space<hbm>>) target(%arg6 : memref<50176xf32, #tpu.memory_space<vmem>>) target_semaphore(%run_scoped3A : memref<!tpu.dma_semaphore, #tpu.memory_space<semaphore_mem>>)
        %dma_wait3A = arith.constant 0 : i32
        %dma_wait3A_368 = tpu.memref_slice %arg2[%add3A_77, %dma_wait3A] : memref<768x50176xf32, #tpu.memory_space<hbm>> -> memref<1x50176xf32, #tpu.memory_space<hbm>>
        %dma_wait3A_369 = tpu.memref_squeeze %dma_wait3A_368 : memref<1x50176xf32, #tpu.memory_space<hbm>> -> memref<50176xf32, #tpu.memory_space<hbm>>
        %dma_wait3A_370 = arith.constant 0 : i32
        %dma_wait3A_371 = tpu.memref_slice %arg2[%add3A_77, %dma_wait3A_370] : memref<768x50176xf32, #tpu.memory_space<hbm>> -> memref<1x50176xf32, #tpu.memory_space<hbm>>
        %dma_wait3A_372 = tpu.memref_squeeze %dma_wait3A_371 : memref<1x50176xf32, #tpu.memory_space<hbm>> -> memref<50176xf32, #tpu.memory_space<hbm>>
        tpu.wait_dma2 semaphore(%run_scoped3A : memref<!tpu.dma_semaphore, #tpu.memory_space<semaphore_mem>>) src(%dma_wait3A_372 : memref<50176xf32, #tpu.memory_space<hbm>>) dst(%arg6 : memref<50176xf32, #tpu.memory_space<vmem>>)
        tpu.yield
      }) : () -> ()
      %broadcast_in_dim3A_78 = arith.constant 0.000000e+00 : f32
      %broadcast_in_dim3A_79 = vector.broadcast %broadcast_in_dim3A_78 : f32 to vector<16xf32>
      %scan3A_80 = arith.constant 0 : i32
      %scan3A_81 = arith.constant 392 : i32
      %scan3A_82 = arith.addi %scan3A_80, %scan3A_81 : i32
      %scan3A_83 = arith.constant 1 : i32
      %scan3A_84:4 = scf.for %scan3A_363 = %scan3A_80 to %scan3A_82 step %scan3A_83 iter_args(%scan3A_364 = %broadcast_in_dim3A_79, %scan3A_365 = %broadcast_in_dim3A_79, %scan3A_366 = %broadcast_in_dim3A_79, %scan3A_367 = %broadcast_in_dim3A_79) -> (vector<16xf32>, vector<16xf32>, vector<16xf32>, vector<16xf32>)  : i32 {
        %mul3A_368 = arith.constant 8 : i32
        %mul3A_369 = arith.muli %scan3A_363, %mul3A_368 : i32
        %add3A_370 = arith.constant 0 : i32
        %add3A_371 = arith.addi %mul3A_369, %add3A_370 : i32
        %mul3A_372 = arith.constant 16 : i32
        %mul3A_373 = arith.muli %add3A_371, %mul3A_372 : i32
        %get3A = arith.index_cast %mul3A_373 : i32 to index
        %get3A_374 = tpu.vector_load %arg6[%get3A] {strides = array<i32>} : memref<50176xf32, #tpu.memory_space<vmem>>, vector<16xf32>,
        %get3A_375 = vector.shape_cast %get3A_374 : vector<16xf32> to vector<16xf32>
        %mul3A_376 = arith.constant 8 : i32
        %mul3A_377 = arith.muli %scan3A_363, %mul3A_376 : i32
        %add3A_378 = arith.constant 0 : i32
        %add3A_379 = arith.addi %mul3A_377, %add3A_378 : i32
        %mul3A_380 = arith.constant 16 : i32
        %mul3A_381 = arith.muli %add3A_379, %mul3A_380 : i32
        %get3A_382 = arith.index_cast %mul3A_381 : i32 to index
        %get3A_383 = tpu.vector_load %arg5[%get3A_382] {strides = array<i32>} : memref<50176xf32, #tpu.memory_space<vmem>>, vector<16xf32>,
        %get3A_384 = vector.shape_cast %get3A_383 : vector<16xf32> to vector<16xf32>
        %ge3A = arith.constant 5.000000e-01 : f32
        %ge3A_385 = vector.broadcast %ge3A : f32 to vector<16xf32>
        %ge3A_386 = arith.cmpf oge, %get3A_384, %ge3A_385 : vector<16xf32>
        %mul3A_387 = arith.mulf %get3A_375, %get3A_375 : vector<16xf32>
        %add3A_388 = arith.addf %scan3A_364, %get3A_375 : vector<16xf32>
        %add3A_389 = arith.addf %scan3A_365, %mul3A_387 : vector<16xf32>
        %jit3A_390 = arith.constant 0.000000e+00 : f32
        %broadcast_in_dim3A_391 = vector.broadcast %jit3A_390 : f32 to vector<16xf32>
        %select_n3A_392 = arith.select %ge3A_386, %get3A_375, %broadcast_in_dim3A_391 : vector<16xi1>, vector<16xf32>
        %add3A_393 = arith.addf %scan3A_366, %select_n3A_392 : vector<16xf32>
        %jit3A_394 = arith.constant 0.000000e+00 : f32
        %broadcast_in_dim3A_395 = vector.broadcast %jit3A_394 : f32 to vector<16xf32>
        %select_n3A_396 = arith.select %ge3A_386, %mul3A_387, %broadcast_in_dim3A_395 : vector<16xi1>, vector<16xf32>
        %add3A_397 = arith.addf %scan3A_367, %select_n3A_396 : vector<16xf32>
        %mul3A_398 = arith.constant 8 : i32
        %mul3A_399 = arith.muli %scan3A_363, %mul3A_398 : i32
        %add3A_400 = arith.constant 1 : i32
        %add3A_401 = arith.addi %mul3A_399, %add3A_400 : i32
        %mul3A_402 = arith.constant 16 : i32
        %mul3A_403 = arith.muli %add3A_401, %mul3A_402 : i32
        %get3A_404 = arith.index_cast %mul3A_403 : i32 to index
        %get3A_405 = tpu.vector_load %arg6[%get3A_404] {strides = array<i32>} : memref<50176xf32, #tpu.memory_space<vmem>>, vector<16xf32>,
        %get3A_406 = vector.shape_cast %get3A_405 : vector<16xf32> to vector<16xf32>
        %mul3A_407 = arith.constant 8 : i32
        %mul3A_408 = arith.muli %scan3A_363, %mul3A_407 : i32
        %add3A_409 = arith.constant 1 : i32
        %add3A_410 = arith.addi %mul3A_408, %add3A_409 : i32
        %mul3A_411 = arith.constant 16 : i32
        %mul3A_412 = arith.muli %add3A_410, %mul3A_411 : i32
        %get3A_413 = arith.index_cast %mul3A_412 : i32 to index
        %get3A_414 = tpu.vector_load %arg5[%get3A_413] {strides = array<i32>} : memref<50176xf32, #tpu.memory_space<vmem>>, vector<16xf32>,
        %get3A_415 = vector.shape_cast %get3A_414 : vector<16xf32> to vector<16xf32>
        %ge3A_416 = arith.constant 5.000000e-01 : f32
        %ge3A_417 = vector.broadcast %ge3A_416 : f32 to vector<16xf32>
        %ge3A_418 = arith.cmpf oge, %get3A_415, %ge3A_417 : vector<16xf32>
        %mul3A_419 = arith.mulf %get3A_406, %get3A_406 : vector<16xf32>
        %add3A_420 = arith.addf %add3A_388, %get3A_406 : vector<16xf32>
        %add3A_421 = arith.addf %add3A_389, %mul3A_419 : vector<16xf32>
        %jit3A_422 = arith.constant 0.000000e+00 : f32
        %broadcast_in_dim3A_423 = vector.broadcast %jit3A_422 : f32 to vector<16xf32>
        %select_n3A_424 = arith.select %ge3A_418, %get3A_406, %broadcast_in_dim3A_423 : vector<16xi1>, vector<16xf32>
        %add3A_425 = arith.addf %add3A_393, %select_n3A_424 : vector<16xf32>
        %jit3A_426 = arith.constant 0.000000e+00 : f32
        %broadcast_in_dim3A_427 = vector.broadcast %jit3A_426 : f32 to vector<16xf32>
        %select_n3A_428 = arith.select %ge3A_418, %mul3A_419, %broadcast_in_dim3A_427 : vector<16xi1>, vector<16xf32>
        %add3A_429 = arith.addf %add3A_397, %select_n3A_428 : vector<16xf32>
        %mul3A_430 = arith.constant 8 : i32
        %mul3A_431 = arith.muli %scan3A_363, %mul3A_430 : i32
        %add3A_432 = arith.constant 2 : i32
        %add3A_433 = arith.addi %mul3A_431, %add3A_432 : i32
        %mul3A_434 = arith.constant 16 : i32
        %mul3A_435 = arith.muli %add3A_433, %mul3A_434 : i32
        %get3A_436 = arith.index_cast %mul3A_435 : i32 to index
        %get3A_437 = tpu.vector_load %arg6[%get3A_436] {strides = array<i32>} : memref<50176xf32, #tpu.memory_space<vmem>>, vector<16xf32>,
        %get3A_438 = vector.shape_cast %get3A_437 : vector<16xf32> to vector<16xf32>
        %mul3A_439 = arith.constant 8 : i32
        %mul3A_440 = arith.muli %scan3A_363, %mul3A_439 : i32
        %add3A_441 = arith.constant 2 : i32
        %add3A_442 = arith.addi %mul3A_440, %add3A_441 : i32
        %mul3A_443 = arith.constant 16 : i32
        %mul3A_444 = arith.muli %add3A_442, %mul3A_443 : i32
        %get3A_445 = arith.index_cast %mul3A_444 : i32 to index
        %get3A_446 = tpu.vector_load %arg5[%get3A_445] {strides = array<i32>} : memref<50176xf32, #tpu.memory_space<vmem>>, vector<16xf32>,
        %get3A_447 = vector.shape_cast %get3A_446 : vector<16xf32> to vector<16xf32>
        %ge3A_448 = arith.constant 5.000000e-01 : f32
        %ge3A_449 = vector.broadcast %ge3A_448 : f32 to vector<16xf32>
        %ge3A_450 = arith.cmpf oge, %get3A_447, %ge3A_449 : vector<16xf32>
        %mul3A_451 = arith.mulf %get3A_438, %get3A_438 : vector<16xf32>
        %add3A_452 = arith.addf %add3A_420, %get3A_438 : vector<16xf32>
        %add3A_453 = arith.addf %add3A_421, %mul3A_451 : vector<16xf32>
        %jit3A_454 = arith.constant 0.000000e+00 : f32
        %broadcast_in_dim3A_455 = vector.broadcast %jit3A_454 : f32 to vector<16xf32>
        %select_n3A_456 = arith.select %ge3A_450, %get3A_438, %broadcast_in_dim3A_455 : vector<16xi1>, vector<16xf32>
        %add3A_457 = arith.addf %add3A_425, %select_n3A_456 : vector<16xf32>
        %jit3A_458 = arith.constant 0.000000e+00 : f32
        %broadcast_in_dim3A_459 = vector.broadcast %jit3A_458 : f32 to vector<16xf32>
        %select_n3A_460 = arith.select %ge3A_450, %mul3A_451, %broadcast_in_dim3A_459 : vector<16xi1>, vector<16xf32>
        %add3A_461 = arith.addf %add3A_429, %select_n3A_460 : vector<16xf32>
        %mul3A_462 = arith.constant 8 : i32
        %mul3A_463 = arith.muli %scan3A_363, %mul3A_462 : i32
        %add3A_464 = arith.constant 3 : i32
        %add3A_465 = arith.addi %mul3A_463, %add3A_464 : i32
        %mul3A_466 = arith.constant 16 : i32
        %mul3A_467 = arith.muli %add3A_465, %mul3A_466 : i32
        %get3A_468 = arith.index_cast %mul3A_467 : i32 to index
        %get3A_469 = tpu.vector_load %arg6[%get3A_468] {strides = array<i32>} : memref<50176xf32, #tpu.memory_space<vmem>>, vector<16xf32>,
        %get3A_470 = vector.shape_cast %get3A_469 : vector<16xf32> to vector<16xf32>
        %mul3A_471 = arith.constant 8 : i32
        %mul3A_472 = arith.muli %scan3A_363, %mul3A_471 : i32
        %add3A_473 = arith.constant 3 : i32
        %add3A_474 = arith.addi %mul3A_472, %add3A_473 : i32
        %mul3A_475 = arith.constant 16 : i32
        %mul3A_476 = arith.muli %add3A_474, %mul3A_475 : i32
        %get3A_477 = arith.index_cast %mul3A_476 : i32 to index
        %get3A_478 = tpu.vector_load %arg5[%get3A_477] {strides = array<i32>} : memref<50176xf32, #tpu.memory_space<vmem>>, vector<16xf32>,
        %get3A_479 = vector.shape_cast %get3A_478 : vector<16xf32> to vector<16xf32>
        %ge3A_480 = arith.constant 5.000000e-01 : f32
        %ge3A_481 = vector.broadcast %ge3A_480 : f32 to vector<16xf32>
        %ge3A_482 = arith.cmpf oge, %get3A_479, %ge3A_481 : vector<16xf32>
        %mul3A_483 = arith.mulf %get3A_470, %get3A_470 : vector<16xf32>
        %add3A_484 = arith.addf %add3A_452, %get3A_470 : vector<16xf32>
        %add3A_485 = arith.addf %add3A_453, %mul3A_483 : vector<16xf32>
        %jit3A_486 = arith.constant 0.000000e+00 : f32
        %broadcast_in_dim3A_487 = vector.broadcast %jit3A_486 : f32 to vector<16xf32>
        %select_n3A_488 = arith.select %ge3A_482, %get3A_470, %broadcast_in_dim3A_487 : vector<16xi1>, vector<16xf32>
        %add3A_489 = arith.addf %add3A_457, %select_n3A_488 : vector<16xf32>
        %jit3A_490 = arith.constant 0.000000e+00 : f32
        %broadcast_in_dim3A_491 = vector.broadcast %jit3A_490 : f32 to vector<16xf32>
        %select_n3A_492 = arith.select %ge3A_482, %mul3A_483, %broadcast_in_dim3A_491 : vector<16xi1>, vector<16xf32>
        %add3A_493 = arith.addf %add3A_461, %select_n3A_492 : vector<16xf32>
        %mul3A_494 = arith.constant 8 : i32
        %mul3A_495 = arith.muli %scan3A_363, %mul3A_494 : i32
        %add3A_496 = arith.constant 4 : i32
        %add3A_497 = arith.addi %mul3A_495, %add3A_496 : i32
        %mul3A_498 = arith.constant 16 : i32
        %mul3A_499 = arith.muli %add3A_497, %mul3A_498 : i32
        %get3A_500 = arith.index_cast %mul3A_499 : i32 to index
        %get3A_501 = tpu.vector_load %arg6[%get3A_500] {strides = array<i32>} : memref<50176xf32, #tpu.memory_space<vmem>>, vector<16xf32>,
        %get3A_502 = vector.shape_cast %get3A_501 : vector<16xf32> to vector<16xf32>
        %mul3A_503 = arith.constant 8 : i32
        %mul3A_504 = arith.muli %scan3A_363, %mul3A_503 : i32
        %add3A_505 = arith.constant 4 : i32
        %add3A_506 = arith.addi %mul3A_504, %add3A_505 : i32
        %mul3A_507 = arith.constant 16 : i32
        %mul3A_508 = arith.muli %add3A_506, %mul3A_507 : i32
        %get3A_509 = arith.index_cast %mul3A_508 : i32 to index
        %get3A_510 = tpu.vector_load %arg5[%get3A_509] {strides = array<i32>} : memref<50176xf32, #tpu.memory_space<vmem>>, vector<16xf32>,
        %get3A_511 = vector.shape_cast %get3A_510 : vector<16xf32> to vector<16xf32>
        %ge3A_512 = arith.constant 5.000000e-01 : f32
        %ge3A_513 = vector.broadcast %ge3A_512 : f32 to vector<16xf32>
        %ge3A_514 = arith.cmpf oge, %get3A_511, %ge3A_513 : vector<16xf32>
        %mul3A_515 = arith.mulf %get3A_502, %get3A_502 : vector<16xf32>
        %add3A_516 = arith.addf %add3A_484, %get3A_502 : vector<16xf32>
        %add3A_517 = arith.addf %add3A_485, %mul3A_515 : vector<16xf32>
        %jit3A_518 = arith.constant 0.000000e+00 : f32
        %broadcast_in_dim3A_519 = vector.broadcast %jit3A_518 : f32 to vector<16xf32>
        %select_n3A_520 = arith.select %ge3A_514, %get3A_502, %broadcast_in_dim3A_519 : vector<16xi1>, vector<16xf32>
        %add3A_521 = arith.addf %add3A_489, %select_n3A_520 : vector<16xf32>
        %jit3A_522 = arith.constant 0.000000e+00 : f32
        %broadcast_in_dim3A_523 = vector.broadcast %jit3A_522 : f32 to vector<16xf32>
        %select_n3A_524 = arith.select %ge3A_514, %mul3A_515, %broadcast_in_dim3A_523 : vector<16xi1>, vector<16xf32>
        %add3A_525 = arith.addf %add3A_493, %select_n3A_524 : vector<16xf32>
        %mul3A_526 = arith.constant 8 : i32
        %mul3A_527 = arith.muli %scan3A_363, %mul3A_526 : i32
        %add3A_528 = arith.constant 5 : i32
        %add3A_529 = arith.addi %mul3A_527, %add3A_528 : i32
        %mul3A_530 = arith.constant 16 : i32
        %mul3A_531 = arith.muli %add3A_529, %mul3A_530 : i32
        %get3A_532 = arith.index_cast %mul3A_531 : i32 to index
        %get3A_533 = tpu.vector_load %arg6[%get3A_532] {strides = array<i32>} : memref<50176xf32, #tpu.memory_space<vmem>>, vector<16xf32>,
        %get3A_534 = vector.shape_cast %get3A_533 : vector<16xf32> to vector<16xf32>
        %mul3A_535 = arith.constant 8 : i32
        %mul3A_536 = arith.muli %scan3A_363, %mul3A_535 : i32
        %add3A_537 = arith.constant 5 : i32
        %add3A_538 = arith.addi %mul3A_536, %add3A_537 : i32
        %mul3A_539 = arith.constant 16 : i32
        %mul3A_540 = arith.muli %add3A_538, %mul3A_539 : i32
        %get3A_541 = arith.index_cast %mul3A_540 : i32 to index
        %get3A_542 = tpu.vector_load %arg5[%get3A_541] {strides = array<i32>} : memref<50176xf32, #tpu.memory_space<vmem>>, vector<16xf32>,
        %get3A_543 = vector.shape_cast %get3A_542 : vector<16xf32> to vector<16xf32>
        %ge3A_544 = arith.constant 5.000000e-01 : f32
        %ge3A_545 = vector.broadcast %ge3A_544 : f32 to vector<16xf32>
        %ge3A_546 = arith.cmpf oge, %get3A_543, %ge3A_545 : vector<16xf32>
        %mul3A_547 = arith.mulf %get3A_534, %get3A_534 : vector<16xf32>
        %add3A_548 = arith.addf %add3A_516, %get3A_534 : vector<16xf32>
        %add3A_549 = arith.addf %add3A_517, %mul3A_547 : vector<16xf32>
        %jit3A_550 = arith.constant 0.000000e+00 : f32
        %broadcast_in_dim3A_551 = vector.broadcast %jit3A_550 : f32 to vector<16xf32>
        %select_n3A_552 = arith.select %ge3A_546, %get3A_534, %broadcast_in_dim3A_551 : vector<16xi1>, vector<16xf32>
        %add3A_553 = arith.addf %add3A_521, %select_n3A_552 : vector<16xf32>
        %jit3A_554 = arith.constant 0.000000e+00 : f32
        %broadcast_in_dim3A_555 = vector.broadcast %jit3A_554 : f32 to vector<16xf32>
        %select_n3A_556 = arith.select %ge3A_546, %mul3A_547, %broadcast_in_dim3A_555 : vector<16xi1>, vector<16xf32>
        %add3A_557 = arith.addf %add3A_525, %select_n3A_556 : vector<16xf32>
        %mul3A_558 = arith.constant 8 : i32
        %mul3A_559 = arith.muli %scan3A_363, %mul3A_558 : i32
        %add3A_560 = arith.constant 6 : i32
        %add3A_561 = arith.addi %mul3A_559, %add3A_560 : i32
        %mul3A_562 = arith.constant 16 : i32
        %mul3A_563 = arith.muli %add3A_561, %mul3A_562 : i32
        %get3A_564 = arith.index_cast %mul3A_563 : i32 to index
        %get3A_565 = tpu.vector_load %arg6[%get3A_564] {strides = array<i32>} : memref<50176xf32, #tpu.memory_space<vmem>>, vector<16xf32>,
        %get3A_566 = vector.shape_cast %get3A_565 : vector<16xf32> to vector<16xf32>
        %mul3A_567 = arith.constant 8 : i32
        %mul3A_568 = arith.muli %scan3A_363, %mul3A_567 : i32
        %add3A_569 = arith.constant 6 : i32
        %add3A_570 = arith.addi %mul3A_568, %add3A_569 : i32
        %mul3A_571 = arith.constant 16 : i32
        %mul3A_572 = arith.muli %add3A_570, %mul3A_571 : i32
        %get3A_573 = arith.index_cast %mul3A_572 : i32 to index
        %get3A_574 = tpu.vector_load %arg5[%get3A_573] {strides = array<i32>} : memref<50176xf32, #tpu.memory_space<vmem>>, vector<16xf32>,
        %get3A_575 = vector.shape_cast %get3A_574 : vector<16xf32> to vector<16xf32>
        %ge3A_576 = arith.constant 5.000000e-01 : f32
        %ge3A_577 = vector.broadcast %ge3A_576 : f32 to vector<16xf32>
        %ge3A_578 = arith.cmpf oge, %get3A_575, %ge3A_577 : vector<16xf32>
        %mul3A_579 = arith.mulf %get3A_566, %get3A_566 : vector<16xf32>
        %add3A_580 = arith.addf %add3A_548, %get3A_566 : vector<16xf32>
        %add3A_581 = arith.addf %add3A_549, %mul3A_579 : vector<16xf32>
        %jit3A_582 = arith.constant 0.000000e+00 : f32
        %broadcast_in_dim3A_583 = vector.broadcast %jit3A_582 : f32 to vector<16xf32>
        %select_n3A_584 = arith.select %ge3A_578, %get3A_566, %broadcast_in_dim3A_583 : vector<16xi1>, vector<16xf32>
        %add3A_585 = arith.addf %add3A_553, %select_n3A_584 : vector<16xf32>
        %jit3A_586 = arith.constant 0.000000e+00 : f32
        %broadcast_in_dim3A_587 = vector.broadcast %jit3A_586 : f32 to vector<16xf32>
        %select_n3A_588 = arith.select %ge3A_578, %mul3A_579, %broadcast_in_dim3A_587 : vector<16xi1>, vector<16xf32>
        %add3A_589 = arith.addf %add3A_557, %select_n3A_588 : vector<16xf32>
        %mul3A_590 = arith.constant 8 : i32
        %mul3A_591 = arith.muli %scan3A_363, %mul3A_590 : i32
        %add3A_592 = arith.constant 7 : i32
        %add3A_593 = arith.addi %mul3A_591, %add3A_592 : i32
        %mul3A_594 = arith.constant 16 : i32
        %mul3A_595 = arith.muli %add3A_593, %mul3A_594 : i32
        %get3A_596 = arith.index_cast %mul3A_595 : i32 to index
        %get3A_597 = tpu.vector_load %arg6[%get3A_596] {strides = array<i32>} : memref<50176xf32, #tpu.memory_space<vmem>>, vector<16xf32>,
        %get3A_598 = vector.shape_cast %get3A_597 : vector<16xf32> to vector<16xf32>
        %mul3A_599 = arith.constant 8 : i32
        %mul3A_600 = arith.muli %scan3A_363, %mul3A_599 : i32
        %add3A_601 = arith.constant 7 : i32
        %add3A_602 = arith.addi %mul3A_600, %add3A_601 : i32
        %mul3A_603 = arith.constant 16 : i32
        %mul3A_604 = arith.muli %add3A_602, %mul3A_603 : i32
        %get3A_605 = arith.index_cast %mul3A_604 : i32 to index
        %get3A_606 = tpu.vector_load %arg5[%get3A_605] {strides = array<i32>} : memref<50176xf32, #tpu.memory_space<vmem>>, vector<16xf32>,
        %get3A_607 = vector.shape_cast %get3A_606 : vector<16xf32> to vector<16xf32>
        %ge3A_608 = arith.constant 5.000000e-01 : f32
        %ge3A_609 = vector.broadcast %ge3A_608 : f32 to vector<16xf32>
        %ge3A_610 = arith.cmpf oge, %get3A_607, %ge3A_609 : vector<16xf32>
        %mul3A_611 = arith.mulf %get3A_598, %get3A_598 : vector<16xf32>
        %add3A_612 = arith.addf %add3A_580, %get3A_598 : vector<16xf32>
        %add3A_613 = arith.addf %add3A_581, %mul3A_611 : vector<16xf32>
        %jit3A_614 = arith.constant 0.000000e+00 : f32
        %broadcast_in_dim3A_615 = vector.broadcast %jit3A_614 : f32 to vector<16xf32>
        %select_n3A_616 = arith.select %ge3A_610, %get3A_598, %broadcast_in_dim3A_615 : vector<16xi1>, vector<16xf32>
        %add3A_617 = arith.addf %add3A_585, %select_n3A_616 : vector<16xf32>
        %jit3A_618 = arith.constant 0.000000e+00 : f32
        %broadcast_in_dim3A_619 = vector.broadcast %jit3A_618 : f32 to vector<16xf32>
        %select_n3A_620 = arith.select %ge3A_610, %mul3A_611, %broadcast_in_dim3A_619 : vector<16xi1>, vector<16xf32>
        %add3A_621 = arith.addf %add3A_589, %select_n3A_620 : vector<16xf32>
        scf.yield %add3A_612, %add3A_613, %add3A_617, %add3A_621 : vector<16xf32>, vector<16xf32>, vector<16xf32>, vector<16xf32>
      }
      %scan3A_85 = arith.constant 392 : i32
      %iota3A_86 = tpu.iota {dimensions = array<i32: 0>} : vector<16xi32>
      %add3A_87 = arith.constant 8 : i32
      %add3A_88 = vector.broadcast %add3A_87 : i32 to vector<16xi32>
      %add3A_89 = arith.addi %iota3A_86, %add3A_88 : vector<16xi32>
      %and3A_90 = arith.constant 15 : i32
      %and3A_91 = vector.broadcast %and3A_90 : i32 to vector<16xi32>
      %and3A_92 = arith.andi %add3A_89, %and3A_91 : vector<16xi32>
      %broadcast_in_dim3A_93 = vector.shape_cast %and3A_92 : vector<16xi32> to vector<16x1xi32>
      %gather3A_94 = vector.shape_cast %broadcast_in_dim3A_93 : vector<16x1xi32> to vector<16xi32>
      %gather3A_95 = tpu.dynamic_gather %scan3A_84#0[%gather3A_94] in [0] : vector<16xf32>, vector<16xi32> -> vector<16xf32>
      %add3A_96 = arith.addf %scan3A_84#0, %gather3A_95 : vector<16xf32>
      %iota3A_97 = tpu.iota {dimensions = array<i32: 0>} : vector<16xi32>
      %add3A_98 = arith.constant 4 : i32
      %add3A_99 = vector.broadcast %add3A_98 : i32 to vector<16xi32>
      %add3A_100 = arith.addi %iota3A_97, %add3A_99 : vector<16xi32>
      %and3A_101 = arith.constant 15 : i32
      %and3A_102 = vector.broadcast %and3A_101 : i32 to vector<16xi32>
      %and3A_103 = arith.andi %add3A_100, %and3A_102 : vector<16xi32>
      %broadcast_in_dim3A_104 = vector.shape_cast %and3A_103 : vector<16xi32> to vector<16x1xi32>
      %gather3A_105 = vector.shape_cast %broadcast_in_dim3A_104 : vector<16x1xi32> to vector<16xi32>
      %gather3A_106 = tpu.dynamic_gather %add3A_96[%gather3A_105] in [0] : vector<16xf32>, vector<16xi32> -> vector<16xf32>
      %add3A_107 = arith.addf %add3A_96, %gather3A_106 : vector<16xf32>
      %iota3A_108 = tpu.iota {dimensions = array<i32: 0>} : vector<16xi32>
      %add3A_109 = arith.constant 2 : i32
      %add3A_110 = vector.broadcast %add3A_109 : i32 to vector<16xi32>
      %add3A_111 = arith.addi %iota3A_108, %add3A_110 : vector<16xi32>
      %and3A_112 = arith.constant 15 : i32
      %and3A_113 = vector.broadcast %and3A_112 : i32 to vector<16xi32>
      %and3A_114 = arith.andi %add3A_111, %and3A_113 : vector<16xi32>
      %broadcast_in_dim3A_115 = vector.shape_cast %and3A_114 : vector<16xi32> to vector<16x1xi32>
      %gather3A_116 = vector.shape_cast %broadcast_in_dim3A_115 : vector<16x1xi32> to vector<16xi32>
      %gather3A_117 = tpu.dynamic_gather %add3A_107[%gather3A_116] in [0] : vector<16xf32>, vector<16xi32> -> vector<16xf32>
      %add3A_118 = arith.addf %add3A_107, %gather3A_117 : vector<16xf32>
      %iota3A_119 = tpu.iota {dimensions = array<i32: 0>} : vector<16xi32>
      %add3A_120 = arith.constant 1 : i32
      %add3A_121 = vector.broadcast %add3A_120 : i32 to vector<16xi32>
      %add3A_122 = arith.addi %iota3A_119, %add3A_121 : vector<16xi32>
      %and3A_123 = arith.constant 15 : i32
      %and3A_124 = vector.broadcast %and3A_123 : i32 to vector<16xi32>
      %and3A_125 = arith.andi %add3A_122, %and3A_124 : vector<16xi32>
      %broadcast_in_dim3A_126 = vector.shape_cast %and3A_125 : vector<16xi32> to vector<16x1xi32>
      %gather3A_127 = vector.shape_cast %broadcast_in_dim3A_126 : vector<16x1xi32> to vector<16xi32>
      %gather3A_128 = tpu.dynamic_gather %add3A_118[%gather3A_127] in [0] : vector<16xf32>, vector<16xi32> -> vector<16xf32>
      %add3A_129 = arith.addf %add3A_118, %gather3A_128 : vector<16xf32>
      %iota3A_130 = tpu.iota {dimensions = array<i32: 0>} : vector<16xi32>
      %add3A_131 = arith.constant 8 : i32
      %add3A_132 = vector.broadcast %add3A_131 : i32 to vector<16xi32>
      %add3A_133 = arith.addi %iota3A_130, %add3A_132 : vector<16xi32>
      %and3A_134 = arith.constant 15 : i32
      %and3A_135 = vector.broadcast %and3A_134 : i32 to vector<16xi32>
      %and3A_136 = arith.andi %add3A_133, %and3A_135 : vector<16xi32>
      %broadcast_in_dim3A_137 = vector.shape_cast %and3A_136 : vector<16xi32> to vector<16x1xi32>
      %gather3A_138 = vector.shape_cast %broadcast_in_dim3A_137 : vector<16x1xi32> to vector<16xi32>
      %gather3A_139 = tpu.dynamic_gather %scan3A_84#1[%gather3A_138] in [0] : vector<16xf32>, vector<16xi32> -> vector<16xf32>
      %add3A_140 = arith.addf %scan3A_84#1, %gather3A_139 : vector<16xf32>
      %iota3A_141 = tpu.iota {dimensions = array<i32: 0>} : vector<16xi32>
      %add3A_142 = arith.constant 4 : i32
      %add3A_143 = vector.broadcast %add3A_142 : i32 to vector<16xi32>
      %add3A_144 = arith.addi %iota3A_141, %add3A_143 : vector<16xi32>
      %and3A_145 = arith.constant 15 : i32
      %and3A_146 = vector.broadcast %and3A_145 : i32 to vector<16xi32>
      %and3A_147 = arith.andi %add3A_144, %and3A_146 : vector<16xi32>
      %broadcast_in_dim3A_148 = vector.shape_cast %and3A_147 : vector<16xi32> to vector<16x1xi32>
      %gather3A_149 = vector.shape_cast %broadcast_in_dim3A_148 : vector<16x1xi32> to vector<16xi32>
      %gather3A_150 = tpu.dynamic_gather %add3A_140[%gather3A_149] in [0] : vector<16xf32>, vector<16xi32> -> vector<16xf32>
      %add3A_151 = arith.addf %add3A_140, %gather3A_150 : vector<16xf32>
      %iota3A_152 = tpu.iota {dimensions = array<i32: 0>} : vector<16xi32>
      %add3A_153 = arith.constant 2 : i32
      %add3A_154 = vector.broadcast %add3A_153 : i32 to vector<16xi32>
      %add3A_155 = arith.addi %iota3A_152, %add3A_154 : vector<16xi32>
      %and3A_156 = arith.constant 15 : i32
      %and3A_157 = vector.broadcast %and3A_156 : i32 to vector<16xi32>
      %and3A_158 = arith.andi %add3A_155, %and3A_157 : vector<16xi32>
      %broadcast_in_dim3A_159 = vector.shape_cast %and3A_158 : vector<16xi32> to vector<16x1xi32>
      %gather3A_160 = vector.shape_cast %broadcast_in_dim3A_159 : vector<16x1xi32> to vector<16xi32>
      %gather3A_161 = tpu.dynamic_gather %add3A_151[%gather3A_160] in [0] : vector<16xf32>, vector<16xi32> -> vector<16xf32>
      %add3A_162 = arith.addf %add3A_151, %gather3A_161 : vector<16xf32>
      %iota3A_163 = tpu.iota {dimensions = array<i32: 0>} : vector<16xi32>
      %add3A_164 = arith.constant 1 : i32
      %add3A_165 = vector.broadcast %add3A_164 : i32 to vector<16xi32>
      %add3A_166 = arith.addi %iota3A_163, %add3A_165 : vector<16xi32>
      %and3A_167 = arith.constant 15 : i32
      %and3A_168 = vector.broadcast %and3A_167 : i32 to vector<16xi32>
      %and3A_169 = arith.andi %add3A_166, %and3A_168 : vector<16xi32>
      %broadcast_in_dim3A_170 = vector.shape_cast %and3A_169 : vector<16xi32> to vector<16x1xi32>
      %gather3A_171 = vector.shape_cast %broadcast_in_dim3A_170 : vector<16x1xi32> to vector<16xi32>
      %gather3A_172 = tpu.dynamic_gather %add3A_162[%gather3A_171] in [0] : vector<16xf32>, vector<16xi32> -> vector<16xf32>
      %add3A_173 = arith.addf %add3A_162, %gather3A_172 : vector<16xf32>
      %iota3A_174 = tpu.iota {dimensions = array<i32: 0>} : vector<16xi32>
      %add3A_175 = arith.constant 8 : i32
      %add3A_176 = vector.broadcast %add3A_175 : i32 to vector<16xi32>
      %add3A_177 = arith.addi %iota3A_174, %add3A_176 : vector<16xi32>
      %and3A_178 = arith.constant 15 : i32
      %and3A_179 = vector.broadcast %and3A_178 : i32 to vector<16xi32>
      %and3A_180 = arith.andi %add3A_177, %and3A_179 : vector<16xi32>
      %broadcast_in_dim3A_181 = vector.shape_cast %and3A_180 : vector<16xi32> to vector<16x1xi32>
      %gather3A_182 = vector.shape_cast %broadcast_in_dim3A_181 : vector<16x1xi32> to vector<16xi32>
      %gather3A_183 = tpu.dynamic_gather %scan3A_84#2[%gather3A_182] in [0] : vector<16xf32>, vector<16xi32> -> vector<16xf32>
      %add3A_184 = arith.addf %scan3A_84#2, %gather3A_183 : vector<16xf32>
      %iota3A_185 = tpu.iota {dimensions = array<i32: 0>} : vector<16xi32>
      %add3A_186 = arith.constant 4 : i32
      %add3A_187 = vector.broadcast %add3A_186 : i32 to vector<16xi32>
      %add3A_188 = arith.addi %iota3A_185, %add3A_187 : vector<16xi32>
      %and3A_189 = arith.constant 15 : i32
      %and3A_190 = vector.broadcast %and3A_189 : i32 to vector<16xi32>
      %and3A_191 = arith.andi %add3A_188, %and3A_190 : vector<16xi32>
      %broadcast_in_dim3A_192 = vector.shape_cast %and3A_191 : vector<16xi32> to vector<16x1xi32>
      %gather3A_193 = vector.shape_cast %broadcast_in_dim3A_192 : vector<16x1xi32> to vector<16xi32>
      %gather3A_194 = tpu.dynamic_gather %add3A_184[%gather3A_193] in [0] : vector<16xf32>, vector<16xi32> -> vector<16xf32>
      %add3A_195 = arith.addf %add3A_184, %gather3A_194 : vector<16xf32>
      %iota3A_196 = tpu.iota {dimensions = array<i32: 0>} : vector<16xi32>
      %add3A_197 = arith.constant 2 : i32
      %add3A_198 = vector.broadcast %add3A_197 : i32 to vector<16xi32>
      %add3A_199 = arith.addi %iota3A_196, %add3A_198 : vector<16xi32>
      %and3A_200 = arith.constant 15 : i32
      %and3A_201 = vector.broadcast %and3A_200 : i32 to vector<16xi32>
      %and3A_202 = arith.andi %add3A_199, %and3A_201 : vector<16xi32>
      %broadcast_in_dim3A_203 = vector.shape_cast %and3A_202 : vector<16xi32> to vector<16x1xi32>
      %gather3A_204 = vector.shape_cast %broadcast_in_dim3A_203 : vector<16x1xi32> to vector<16xi32>
      %gather3A_205 = tpu.dynamic_gather %add3A_195[%gather3A_204] in [0] : vector<16xf32>, vector<16xi32> -> vector<16xf32>
      %add3A_206 = arith.addf %add3A_195, %gather3A_205 : vector<16xf32>
      %iota3A_207 = tpu.iota {dimensions = array<i32: 0>} : vector<16xi32>
      %add3A_208 = arith.constant 1 : i32
      %add3A_209 = vector.broadcast %add3A_208 : i32 to vector<16xi32>
      %add3A_210 = arith.addi %iota3A_207, %add3A_209 : vector<16xi32>
      %and3A_211 = arith.constant 15 : i32
      %and3A_212 = vector.broadcast %and3A_211 : i32 to vector<16xi32>
      %and3A_213 = arith.andi %add3A_210, %and3A_212 : vector<16xi32>
      %broadcast_in_dim3A_214 = vector.shape_cast %and3A_213 : vector<16xi32> to vector<16x1xi32>
      %gather3A_215 = vector.shape_cast %broadcast_in_dim3A_214 : vector<16x1xi32> to vector<16xi32>
      %gather3A_216 = tpu.dynamic_gather %add3A_206[%gather3A_215] in [0] : vector<16xf32>, vector<16xi32> -> vector<16xf32>
      %add3A_217 = arith.addf %add3A_206, %gather3A_216 : vector<16xf32>
      %iota3A_218 = tpu.iota {dimensions = array<i32: 0>} : vector<16xi32>
      %add3A_219 = arith.constant 8 : i32
      %add3A_220 = vector.broadcast %add3A_219 : i32 to vector<16xi32>
      %add3A_221 = arith.addi %iota3A_218, %add3A_220 : vector<16xi32>
      %and3A_222 = arith.constant 15 : i32
      %and3A_223 = vector.broadcast %and3A_222 : i32 to vector<16xi32>
      %and3A_224 = arith.andi %add3A_221, %and3A_223 : vector<16xi32>
      %broadcast_in_dim3A_225 = vector.shape_cast %and3A_224 : vector<16xi32> to vector<16x1xi32>
      %gather3A_226 = vector.shape_cast %broadcast_in_dim3A_225 : vector<16x1xi32> to vector<16xi32>
      %gather3A_227 = tpu.dynamic_gather %scan3A_84#3[%gather3A_226] in [0] : vector<16xf32>, vector<16xi32> -> vector<16xf32>
      %add3A_228 = arith.addf %scan3A_84#3, %gather3A_227 : vector<16xf32>
      %iota3A_229 = tpu.iota {dimensions = array<i32: 0>} : vector<16xi32>
      %add3A_230 = arith.constant 4 : i32
      %add3A_231 = vector.broadcast %add3A_230 : i32 to vector<16xi32>
      %add3A_232 = arith.addi %iota3A_229, %add3A_231 : vector<16xi32>
      %and3A_233 = arith.constant 15 : i32
      %and3A_234 = vector.broadcast %and3A_233 : i32 to vector<16xi32>
      %and3A_235 = arith.andi %add3A_232, %and3A_234 : vector<16xi32>
      %broadcast_in_dim3A_236 = vector.shape_cast %and3A_235 : vector<16xi32> to vector<16x1xi32>
      %gather3A_237 = vector.shape_cast %broadcast_in_dim3A_236 : vector<16x1xi32> to vector<16xi32>
      %gather3A_238 = tpu.dynamic_gather %add3A_228[%gather3A_237] in [0] : vector<16xf32>, vector<16xi32> -> vector<16xf32>
      %add3A_239 = arith.addf %add3A_228, %gather3A_238 : vector<16xf32>
      %iota3A_240 = tpu.iota {dimensions = array<i32: 0>} : vector<16xi32>
      %add3A_241 = arith.constant 2 : i32
      %add3A_242 = vector.broadcast %add3A_241 : i32 to vector<16xi32>
      %add3A_243 = arith.addi %iota3A_240, %add3A_242 : vector<16xi32>
      %and3A_244 = arith.constant 15 : i32
      %and3A_245 = vector.broadcast %and3A_244 : i32 to vector<16xi32>
      %and3A_246 = arith.andi %add3A_243, %and3A_245 : vector<16xi32>
      %broadcast_in_dim3A_247 = vector.shape_cast %and3A_246 : vector<16xi32> to vector<16x1xi32>
      %gather3A_248 = vector.shape_cast %broadcast_in_dim3A_247 : vector<16x1xi32> to vector<16xi32>
      %gather3A_249 = tpu.dynamic_gather %add3A_239[%gather3A_248] in [0] : vector<16xf32>, vector<16xi32> -> vector<16xf32>
      %add3A_250 = arith.addf %add3A_239, %gather3A_249 : vector<16xf32>
      %iota3A_251 = tpu.iota {dimensions = array<i32: 0>} : vector<16xi32>
      %add3A_252 = arith.constant 1 : i32
      %add3A_253 = vector.broadcast %add3A_252 : i32 to vector<16xi32>
      %add3A_254 = arith.addi %iota3A_251, %add3A_253 : vector<16xi32>
      %and3A_255 = arith.constant 15 : i32
      %and3A_256 = vector.broadcast %and3A_255 : i32 to vector<16xi32>
      %and3A_257 = arith.andi %add3A_254, %and3A_256 : vector<16xi32>
      %broadcast_in_dim3A_258 = vector.shape_cast %and3A_257 : vector<16xi32> to vector<16x1xi32>
      %gather3A_259 = vector.shape_cast %broadcast_in_dim3A_258 : vector<16x1xi32> to vector<16xi32>
      %gather3A_260 = tpu.dynamic_gather %add3A_250[%gather3A_259] in [0] : vector<16xf32>, vector<16xi32> -> vector<16xf32>
      %add3A_261 = arith.addf %add3A_250, %gather3A_260 : vector<16xf32>
      %div3A_262 = arith.divf %add3A_217, %add3A_66 : vector<16xf32>
      %sub3A_263 = arith.subf %add3A_129, %add3A_217 : vector<16xf32>
      %div3A_264 = arith.divf %sub3A_263, %sub3A_69 : vector<16xf32>
      %mul3A_265 = arith.mulf %add3A_66, %div3A_262 : vector<16xf32>
      %mul3A_266 = arith.mulf %mul3A_265, %div3A_262 : vector<16xf32>
      %sub3A_267 = arith.subf %add3A_261, %mul3A_266 : vector<16xf32>
      %sub3A_268 = arith.constant 1.000000e+00 : f32
      %sub3A_269 = vector.broadcast %sub3A_268 : f32 to vector<16xf32>
      %sub3A_270 = arith.subf %add3A_66, %sub3A_269 : vector<16xf32>
      %div3A_271 = arith.divf %sub3A_267, %sub3A_270 : vector<16xf32>
      %sub3A_272 = arith.subf %add3A_173, %add3A_261 : vector<16xf32>
      %mul3A_273 = arith.mulf %sub3A_69, %div3A_264 : vector<16xf32>
      %mul3A_274 = arith.mulf %mul3A_273, %div3A_264 : vector<16xf32>
      %sub3A_275 = arith.subf %sub3A_272, %mul3A_274 : vector<16xf32>
      %sub3A_276 = arith.constant 1.000000e+00 : f32
      %sub3A_277 = vector.broadcast %sub3A_276 : f32 to vector<16xf32>
      %sub3A_278 = arith.subf %sub3A_69, %sub3A_277 : vector<16xf32>
      %div3A_279 = arith.divf %sub3A_275, %sub3A_278 : vector<16xf32>
      %bitcast_convert_type3A = tpu.bitcast %div3A_271 : vector<16xf32> -> vector<16xi32>
      %shift_right_arithmetic3A = arith.constant 1 : i32
      %shift_right_arithmetic3A_280 = vector.broadcast %shift_right_arithmetic3A : i32 to vector<16xi32>
      %shift_right_arithmetic3A_281 = arith.shrsi %bitcast_convert_type3A, %shift_right_arithmetic3A_280 : vector<16xi32>
      %sub3A_282 = arith.constant 1597463007 : i32
      %sub3A_283 = vector.broadcast %sub3A_282 : i32 to vector<16xi32>
      %sub3A_284 = arith.subi %sub3A_283, %shift_right_arithmetic3A_281 : vector<16xi32>
      %bitcast_convert_type3A_285 = tpu.bitcast %sub3A_284 : vector<16xi32> -> vector<16xf32>
      %mul3A_286 = arith.constant 5.000000e-01 : f32
      %mul3A_287 = vector.broadcast %mul3A_286 : f32 to vector<16xf32>
      %mul3A_288 = arith.mulf %mul3A_287, %div3A_271 : vector<16xf32>
      %mul3A_289 = arith.mulf %mul3A_288, %bitcast_convert_type3A_285 : vector<16xf32>
      %mul3A_290 = arith.mulf %mul3A_289, %bitcast_convert_type3A_285 : vector<16xf32>
      %sub3A_291 = arith.constant 1.500000e+00 : f32
      %sub3A_292 = vector.broadcast %sub3A_291 : f32 to vector<16xf32>
      %sub3A_293 = arith.subf %sub3A_292, %mul3A_290 : vector<16xf32>
      %mul3A_294 = arith.mulf %bitcast_convert_type3A_285, %sub3A_293 : vector<16xf32>
      %mul3A_295 = arith.constant 5.000000e-01 : f32
      %mul3A_296 = vector.broadcast %mul3A_295 : f32 to vector<16xf32>
      %mul3A_297 = arith.mulf %mul3A_296, %div3A_271 : vector<16xf32>
      %mul3A_298 = arith.mulf %mul3A_297, %mul3A_294 : vector<16xf32>
      %mul3A_299 = arith.mulf %mul3A_298, %mul3A_294 : vector<16xf32>
      %sub3A_300 = arith.constant 1.500000e+00 : f32
      %sub3A_301 = vector.broadcast %sub3A_300 : f32 to vector<16xf32>
      %sub3A_302 = arith.subf %sub3A_301, %mul3A_299 : vector<16xf32>
      %mul3A_303 = arith.mulf %mul3A_294, %sub3A_302 : vector<16xf32>
      %mul3A_304 = arith.constant 5.000000e-01 : f32
      %mul3A_305 = vector.broadcast %mul3A_304 : f32 to vector<16xf32>
      %mul3A_306 = arith.mulf %mul3A_305, %div3A_271 : vector<16xf32>
      %mul3A_307 = arith.mulf %mul3A_306, %mul3A_303 : vector<16xf32>
      %mul3A_308 = arith.mulf %mul3A_307, %mul3A_303 : vector<16xf32>
      %sub3A_309 = arith.constant 1.500000e+00 : f32
      %sub3A_310 = vector.broadcast %sub3A_309 : f32 to vector<16xf32>
      %sub3A_311 = arith.subf %sub3A_310, %mul3A_308 : vector<16xf32>
      %mul3A_312 = arith.mulf %mul3A_303, %sub3A_311 : vector<16xf32>
      %mul3A_313 = arith.mulf %div3A_271, %mul3A_312 : vector<16xf32>
      %bitcast_convert_type3A_314 = tpu.bitcast %div3A_279 : vector<16xf32> -> vector<16xi32>
      %shift_right_arithmetic3A_315 = arith.constant 1 : i32
      %shift_right_arithmetic3A_316 = vector.broadcast %shift_right_arithmetic3A_315 : i32 to vector<16xi32>
      %shift_right_arithmetic3A_317 = arith.shrsi %bitcast_convert_type3A_314, %shift_right_arithmetic3A_316 : vector<16xi32>
      %sub3A_318 = arith.constant 1597463007 : i32
      %sub3A_319 = vector.broadcast %sub3A_318 : i32 to vector<16xi32>
      %sub3A_320 = arith.subi %sub3A_319, %shift_right_arithmetic3A_317 : vector<16xi32>
      %bitcast_convert_type3A_321 = tpu.bitcast %sub3A_320 : vector<16xi32> -> vector<16xf32>
      %mul3A_322 = arith.constant 5.000000e-01 : f32
      %mul3A_323 = vector.broadcast %mul3A_322 : f32 to vector<16xf32>
      %mul3A_324 = arith.mulf %mul3A_323, %div3A_279 : vector<16xf32>
      %mul3A_325 = arith.mulf %mul3A_324, %bitcast_convert_type3A_321 : vector<16xf32>
      %mul3A_326 = arith.mulf %mul3A_325, %bitcast_convert_type3A_321 : vector<16xf32>
      %sub3A_327 = arith.constant 1.500000e+00 : f32
      %sub3A_328 = vector.broadcast %sub3A_327 : f32 to vector<16xf32>
      %sub3A_329 = arith.subf %sub3A_328, %mul3A_326 : vector<16xf32>
      %mul3A_330 = arith.mulf %bitcast_convert_type3A_321, %sub3A_329 : vector<16xf32>
      %mul3A_331 = arith.constant 5.000000e-01 : f32
      %mul3A_332 = vector.broadcast %mul3A_331 : f32 to vector<16xf32>
      %mul3A_333 = arith.mulf %mul3A_332, %div3A_279 : vector<16xf32>
      %mul3A_334 = arith.mulf %mul3A_333, %mul3A_330 : vector<16xf32>
      %mul3A_335 = arith.mulf %mul3A_334, %mul3A_330 : vector<16xf32>
      %sub3A_336 = arith.constant 1.500000e+00 : f32
      %sub3A_337 = vector.broadcast %sub3A_336 : f32 to vector<16xf32>
      %sub3A_338 = arith.subf %sub3A_337, %mul3A_335 : vector<16xf32>
      %mul3A_339 = arith.mulf %mul3A_330, %sub3A_338 : vector<16xf32>
      %mul3A_340 = arith.constant 5.000000e-01 : f32
      %mul3A_341 = vector.broadcast %mul3A_340 : f32 to vector<16xf32>
      %mul3A_342 = arith.mulf %mul3A_341, %div3A_279 : vector<16xf32>
      %mul3A_343 = arith.mulf %mul3A_342, %mul3A_339 : vector<16xf32>
      %mul3A_344 = arith.mulf %mul3A_343, %mul3A_339 : vector<16xf32>
      %sub3A_345 = arith.constant 1.500000e+00 : f32
      %sub3A_346 = vector.broadcast %sub3A_345 : f32 to vector<16xf32>
      %sub3A_347 = arith.subf %sub3A_346, %mul3A_344 : vector<16xf32>
      %mul3A_348 = arith.mulf %mul3A_339, %sub3A_347 : vector<16xf32>
      %mul3A_349 = arith.mulf %div3A_279, %mul3A_348 : vector<16xf32>
      %add3A_350 = arith.constant 9.99999993E-9 : f32
      %add3A_351 = vector.broadcast %add3A_350 : f32 to vector<16xf32>
      %add3A_352 = arith.addf %mul3A_349, %add3A_351 : vector<16xf32>
      %div3A_353 = arith.divf %mul3A_313, %add3A_352 : vector<16xf32>
      %mul3A_354 = arith.mulf %div3A_353, %div3A_264 : vector<16xf32>
      %sub3A_355 = arith.subf %div3A_262, %mul3A_354 : vector<16xf32>
      %scan3A_356 = arith.constant 0 : i32
      %scan3A_357 = arith.constant 0 : i32
      %scan3A_358 = arith.constant 392 : i32
      %scan3A_359 = arith.addi %scan3A_357, %scan3A_358 : i32
      %scan3A_360 = arith.constant 1 : i32
      %scan3A_361 = scf.for %scan3A_363 = %scan3A_357 to %scan3A_359 step %scan3A_360 iter_args(%scan3A_364 = %scan3A_356) -> (i32)  : i32 {
        %mul3A_365 = arith.constant 8 : i32
        %mul3A_366 = arith.muli %scan3A_363, %mul3A_365 : i32
        %add3A_367 = arith.constant 0 : i32
        %add3A_368 = arith.addi %mul3A_366, %add3A_367 : i32
        %mul3A_369 = arith.constant 16 : i32
        %mul3A_370 = arith.muli %add3A_368, %mul3A_369 : i32
        %get3A = arith.index_cast %mul3A_370 : i32 to index
        %get3A_371 = tpu.vector_load %arg6[%get3A] {strides = array<i32>} : memref<50176xf32, #tpu.memory_space<vmem>>, vector<16xf32>,
        %get3A_372 = vector.shape_cast %get3A_371 : vector<16xf32> to vector<16xf32>
        %mul3A_373 = arith.constant 8 : i32
        %mul3A_374 = arith.muli %scan3A_363, %mul3A_373 : i32
        %add3A_375 = arith.constant 0 : i32
        %add3A_376 = arith.addi %mul3A_374, %add3A_375 : i32
        %mul3A_377 = arith.constant 16 : i32
        %mul3A_378 = arith.muli %add3A_376, %mul3A_377 : i32
        %get3A_379 = arith.index_cast %mul3A_378 : i32 to index
        %get3A_380 = tpu.vector_load %arg5[%get3A_379] {strides = array<i32>} : memref<50176xf32, #tpu.memory_space<vmem>>, vector<16xf32>,
        %get3A_381 = vector.shape_cast %get3A_380 : vector<16xf32> to vector<16xf32>
        %mul3A_382 = arith.mulf %get3A_372, %div3A_353 : vector<16xf32>
        %add3A_383 = arith.addf %mul3A_382, %sub3A_355 : vector<16xf32>
        %ge3A = arith.constant 5.000000e-01 : f32
        %ge3A_384 = vector.broadcast %ge3A : f32 to vector<16xf32>
        %ge3A_385 = arith.cmpf oge, %get3A_381, %ge3A_384 : vector<16xf32>
        %select_n3A_386 = arith.select %ge3A_385, %get3A_372, %add3A_383 : vector<16xi1>, vector<16xf32>
        %mul3A_387 = arith.constant 8 : i32
        %mul3A_388 = arith.muli %scan3A_363, %mul3A_387 : i32
        %add3A_389 = arith.constant 0 : i32
        %add3A_390 = arith.addi %mul3A_388, %add3A_389 : i32
        %mul3A_391 = arith.constant 16 : i32
        %mul3A_392 = arith.muli %add3A_390, %mul3A_391 : i32
        %swap3A = arith.index_cast %mul3A_392 : i32 to index
        %swap3A_393 = tpu.vector_load %arg6[%swap3A] {strides = array<i32>} : memref<50176xf32, #tpu.memory_space<vmem>>, vector<16xf32>,
        %swap3A_394 = vector.shape_cast %swap3A_393 : vector<16xf32> to vector<16xf32>
        %swap3A_395 = vector.shape_cast %select_n3A_386 : vector<16xf32> to vector<16xf32>
        tpu.vector_store %arg6[%swap3A], %swap3A_395 {strides = array<i32>} : memref<50176xf32, #tpu.memory_space<vmem>>, vector<16xf32>,
        %mul3A_396 = arith.constant 8 : i32
        %mul3A_397 = arith.muli %scan3A_363, %mul3A_396 : i32
        %add3A_398 = arith.constant 1 : i32
        %add3A_399 = arith.addi %mul3A_397, %add3A_398 : i32
        %mul3A_400 = arith.constant 16 : i32
        %mul3A_401 = arith.muli %add3A_399, %mul3A_400 : i32
        %get3A_402 = arith.index_cast %mul3A_401 : i32 to index
        %get3A_403 = tpu.vector_load %arg6[%get3A_402] {strides = array<i32>} : memref<50176xf32, #tpu.memory_space<vmem>>, vector<16xf32>,
        %get3A_404 = vector.shape_cast %get3A_403 : vector<16xf32> to vector<16xf32>
        %mul3A_405 = arith.constant 8 : i32
        %mul3A_406 = arith.muli %scan3A_363, %mul3A_405 : i32
        %add3A_407 = arith.constant 1 : i32
        %add3A_408 = arith.addi %mul3A_406, %add3A_407 : i32
        %mul3A_409 = arith.constant 16 : i32
        %mul3A_410 = arith.muli %add3A_408, %mul3A_409 : i32
        %get3A_411 = arith.index_cast %mul3A_410 : i32 to index
        %get3A_412 = tpu.vector_load %arg5[%get3A_411] {strides = array<i32>} : memref<50176xf32, #tpu.memory_space<vmem>>, vector<16xf32>,
        %get3A_413 = vector.shape_cast %get3A_412 : vector<16xf32> to vector<16xf32>
        %mul3A_414 = arith.mulf %get3A_404, %div3A_353 : vector<16xf32>
        %add3A_415 = arith.addf %mul3A_414, %sub3A_355 : vector<16xf32>
        %ge3A_416 = arith.constant 5.000000e-01 : f32
        %ge3A_417 = vector.broadcast %ge3A_416 : f32 to vector<16xf32>
        %ge3A_418 = arith.cmpf oge, %get3A_413, %ge3A_417 : vector<16xf32>
        %select_n3A_419 = arith.select %ge3A_418, %get3A_404, %add3A_415 : vector<16xi1>, vector<16xf32>
        %mul3A_420 = arith.constant 8 : i32
        %mul3A_421 = arith.muli %scan3A_363, %mul3A_420 : i32
        %add3A_422 = arith.constant 1 : i32
        %add3A_423 = arith.addi %mul3A_421, %add3A_422 : i32
        %mul3A_424 = arith.constant 16 : i32
        %mul3A_425 = arith.muli %add3A_423, %mul3A_424 : i32
        %swap3A_426 = arith.index_cast %mul3A_425 : i32 to index
        %swap3A_427 = tpu.vector_load %arg6[%swap3A_426] {strides = array<i32>} : memref<50176xf32, #tpu.memory_space<vmem>>, vector<16xf32>,
        %swap3A_428 = vector.shape_cast %swap3A_427 : vector<16xf32> to vector<16xf32>
        %swap3A_429 = vector.shape_cast %select_n3A_419 : vector<16xf32> to vector<16xf32>
        tpu.vector_store %arg6[%swap3A_426], %swap3A_429 {strides = array<i32>} : memref<50176xf32, #tpu.memory_space<vmem>>, vector<16xf32>,
        %mul3A_430 = arith.constant 8 : i32
        %mul3A_431 = arith.muli %scan3A_363, %mul3A_430 : i32
        %add3A_432 = arith.constant 2 : i32
        %add3A_433 = arith.addi %mul3A_431, %add3A_432 : i32
        %mul3A_434 = arith.constant 16 : i32
        %mul3A_435 = arith.muli %add3A_433, %mul3A_434 : i32
        %get3A_436 = arith.index_cast %mul3A_435 : i32 to index
        %get3A_437 = tpu.vector_load %arg6[%get3A_436] {strides = array<i32>} : memref<50176xf32, #tpu.memory_space<vmem>>, vector<16xf32>,
        %get3A_438 = vector.shape_cast %get3A_437 : vector<16xf32> to vector<16xf32>
        %mul3A_439 = arith.constant 8 : i32
        %mul3A_440 = arith.muli %scan3A_363, %mul3A_439 : i32
        %add3A_441 = arith.constant 2 : i32
        %add3A_442 = arith.addi %mul3A_440, %add3A_441 : i32
        %mul3A_443 = arith.constant 16 : i32
        %mul3A_444 = arith.muli %add3A_442, %mul3A_443 : i32
        %get3A_445 = arith.index_cast %mul3A_444 : i32 to index
        %get3A_446 = tpu.vector_load %arg5[%get3A_445] {strides = array<i32>} : memref<50176xf32, #tpu.memory_space<vmem>>, vector<16xf32>,
        %get3A_447 = vector.shape_cast %get3A_446 : vector<16xf32> to vector<16xf32>
        %mul3A_448 = arith.mulf %get3A_438, %div3A_353 : vector<16xf32>
        %add3A_449 = arith.addf %mul3A_448, %sub3A_355 : vector<16xf32>
        %ge3A_450 = arith.constant 5.000000e-01 : f32
        %ge3A_451 = vector.broadcast %ge3A_450 : f32 to vector<16xf32>
        %ge3A_452 = arith.cmpf oge, %get3A_447, %ge3A_451 : vector<16xf32>
        %select_n3A_453 = arith.select %ge3A_452, %get3A_438, %add3A_449 : vector<16xi1>, vector<16xf32>
        %mul3A_454 = arith.constant 8 : i32
        %mul3A_455 = arith.muli %scan3A_363, %mul3A_454 : i32
        %add3A_456 = arith.constant 2 : i32
        %add3A_457 = arith.addi %mul3A_455, %add3A_456 : i32
        %mul3A_458 = arith.constant 16 : i32
        %mul3A_459 = arith.muli %add3A_457, %mul3A_458 : i32
        %swap3A_460 = arith.index_cast %mul3A_459 : i32 to index
        %swap3A_461 = tpu.vector_load %arg6[%swap3A_460] {strides = array<i32>} : memref<50176xf32, #tpu.memory_space<vmem>>, vector<16xf32>,
        %swap3A_462 = vector.shape_cast %swap3A_461 : vector<16xf32> to vector<16xf32>
        %swap3A_463 = vector.shape_cast %select_n3A_453 : vector<16xf32> to vector<16xf32>
        tpu.vector_store %arg6[%swap3A_460], %swap3A_463 {strides = array<i32>} : memref<50176xf32, #tpu.memory_space<vmem>>, vector<16xf32>,
        %mul3A_464 = arith.constant 8 : i32
        %mul3A_465 = arith.muli %scan3A_363, %mul3A_464 : i32
        %add3A_466 = arith.constant 3 : i32
        %add3A_467 = arith.addi %mul3A_465, %add3A_466 : i32
        %mul3A_468 = arith.constant 16 : i32
        %mul3A_469 = arith.muli %add3A_467, %mul3A_468 : i32
        %get3A_470 = arith.index_cast %mul3A_469 : i32 to index
        %get3A_471 = tpu.vector_load %arg6[%get3A_470] {strides = array<i32>} : memref<50176xf32, #tpu.memory_space<vmem>>, vector<16xf32>,
        %get3A_472 = vector.shape_cast %get3A_471 : vector<16xf32> to vector<16xf32>
        %mul3A_473 = arith.constant 8 : i32
        %mul3A_474 = arith.muli %scan3A_363, %mul3A_473 : i32
        %add3A_475 = arith.constant 3 : i32
        %add3A_476 = arith.addi %mul3A_474, %add3A_475 : i32
        %mul3A_477 = arith.constant 16 : i32
        %mul3A_478 = arith.muli %add3A_476, %mul3A_477 : i32
        %get3A_479 = arith.index_cast %mul3A_478 : i32 to index
        %get3A_480 = tpu.vector_load %arg5[%get3A_479] {strides = array<i32>} : memref<50176xf32, #tpu.memory_space<vmem>>, vector<16xf32>,
        %get3A_481 = vector.shape_cast %get3A_480 : vector<16xf32> to vector<16xf32>
        %mul3A_482 = arith.mulf %get3A_472, %div3A_353 : vector<16xf32>
        %add3A_483 = arith.addf %mul3A_482, %sub3A_355 : vector<16xf32>
        %ge3A_484 = arith.constant 5.000000e-01 : f32
        %ge3A_485 = vector.broadcast %ge3A_484 : f32 to vector<16xf32>
        %ge3A_486 = arith.cmpf oge, %get3A_481, %ge3A_485 : vector<16xf32>
        %select_n3A_487 = arith.select %ge3A_486, %get3A_472, %add3A_483 : vector<16xi1>, vector<16xf32>
        %mul3A_488 = arith.constant 8 : i32
        %mul3A_489 = arith.muli %scan3A_363, %mul3A_488 : i32
        %add3A_490 = arith.constant 3 : i32
        %add3A_491 = arith.addi %mul3A_489, %add3A_490 : i32
        %mul3A_492 = arith.constant 16 : i32
        %mul3A_493 = arith.muli %add3A_491, %mul3A_492 : i32
        %swap3A_494 = arith.index_cast %mul3A_493 : i32 to index
        %swap3A_495 = tpu.vector_load %arg6[%swap3A_494] {strides = array<i32>} : memref<50176xf32, #tpu.memory_space<vmem>>, vector<16xf32>,
        %swap3A_496 = vector.shape_cast %swap3A_495 : vector<16xf32> to vector<16xf32>
        %swap3A_497 = vector.shape_cast %select_n3A_487 : vector<16xf32> to vector<16xf32>
        tpu.vector_store %arg6[%swap3A_494], %swap3A_497 {strides = array<i32>} : memref<50176xf32, #tpu.memory_space<vmem>>, vector<16xf32>,
        %mul3A_498 = arith.constant 8 : i32
        %mul3A_499 = arith.muli %scan3A_363, %mul3A_498 : i32
        %add3A_500 = arith.constant 4 : i32
        %add3A_501 = arith.addi %mul3A_499, %add3A_500 : i32
        %mul3A_502 = arith.constant 16 : i32
        %mul3A_503 = arith.muli %add3A_501, %mul3A_502 : i32
        %get3A_504 = arith.index_cast %mul3A_503 : i32 to index
        %get3A_505 = tpu.vector_load %arg6[%get3A_504] {strides = array<i32>} : memref<50176xf32, #tpu.memory_space<vmem>>, vector<16xf32>,
        %get3A_506 = vector.shape_cast %get3A_505 : vector<16xf32> to vector<16xf32>
        %mul3A_507 = arith.constant 8 : i32
        %mul3A_508 = arith.muli %scan3A_363, %mul3A_507 : i32
        %add3A_509 = arith.constant 4 : i32
        %add3A_510 = arith.addi %mul3A_508, %add3A_509 : i32
        %mul3A_511 = arith.constant 16 : i32
        %mul3A_512 = arith.muli %add3A_510, %mul3A_511 : i32
        %get3A_513 = arith.index_cast %mul3A_512 : i32 to index
        %get3A_514 = tpu.vector_load %arg5[%get3A_513] {strides = array<i32>} : memref<50176xf32, #tpu.memory_space<vmem>>, vector<16xf32>,
        %get3A_515 = vector.shape_cast %get3A_514 : vector<16xf32> to vector<16xf32>
        %mul3A_516 = arith.mulf %get3A_506, %div3A_353 : vector<16xf32>
        %add3A_517 = arith.addf %mul3A_516, %sub3A_355 : vector<16xf32>
        %ge3A_518 = arith.constant 5.000000e-01 : f32
        %ge3A_519 = vector.broadcast %ge3A_518 : f32 to vector<16xf32>
        %ge3A_520 = arith.cmpf oge, %get3A_515, %ge3A_519 : vector<16xf32>
        %select_n3A_521 = arith.select %ge3A_520, %get3A_506, %add3A_517 : vector<16xi1>, vector<16xf32>
        %mul3A_522 = arith.constant 8 : i32
        %mul3A_523 = arith.muli %scan3A_363, %mul3A_522 : i32
        %add3A_524 = arith.constant 4 : i32
        %add3A_525 = arith.addi %mul3A_523, %add3A_524 : i32
        %mul3A_526 = arith.constant 16 : i32
        %mul3A_527 = arith.muli %add3A_525, %mul3A_526 : i32
        %swap3A_528 = arith.index_cast %mul3A_527 : i32 to index
        %swap3A_529 = tpu.vector_load %arg6[%swap3A_528] {strides = array<i32>} : memref<50176xf32, #tpu.memory_space<vmem>>, vector<16xf32>,
        %swap3A_530 = vector.shape_cast %swap3A_529 : vector<16xf32> to vector<16xf32>
        %swap3A_531 = vector.shape_cast %select_n3A_521 : vector<16xf32> to vector<16xf32>
        tpu.vector_store %arg6[%swap3A_528], %swap3A_531 {strides = array<i32>} : memref<50176xf32, #tpu.memory_space<vmem>>, vector<16xf32>,
        %mul3A_532 = arith.constant 8 : i32
        %mul3A_533 = arith.muli %scan3A_363, %mul3A_532 : i32
        %add3A_534 = arith.constant 5 : i32
        %add3A_535 = arith.addi %mul3A_533, %add3A_534 : i32
        %mul3A_536 = arith.constant 16 : i32
        %mul3A_537 = arith.muli %add3A_535, %mul3A_536 : i32
        %get3A_538 = arith.index_cast %mul3A_537 : i32 to index
        %get3A_539 = tpu.vector_load %arg6[%get3A_538] {strides = array<i32>} : memref<50176xf32, #tpu.memory_space<vmem>>, vector<16xf32>,
        %get3A_540 = vector.shape_cast %get3A_539 : vector<16xf32> to vector<16xf32>
        %mul3A_541 = arith.constant 8 : i32
        %mul3A_542 = arith.muli %scan3A_363, %mul3A_541 : i32
        %add3A_543 = arith.constant 5 : i32
        %add3A_544 = arith.addi %mul3A_542, %add3A_543 : i32
        %mul3A_545 = arith.constant 16 : i32
        %mul3A_546 = arith.muli %add3A_544, %mul3A_545 : i32
        %get3A_547 = arith.index_cast %mul3A_546 : i32 to index
        %get3A_548 = tpu.vector_load %arg5[%get3A_547] {strides = array<i32>} : memref<50176xf32, #tpu.memory_space<vmem>>, vector<16xf32>,
        %get3A_549 = vector.shape_cast %get3A_548 : vector<16xf32> to vector<16xf32>
        %mul3A_550 = arith.mulf %get3A_540, %div3A_353 : vector<16xf32>
        %add3A_551 = arith.addf %mul3A_550, %sub3A_355 : vector<16xf32>
        %ge3A_552 = arith.constant 5.000000e-01 : f32
        %ge3A_553 = vector.broadcast %ge3A_552 : f32 to vector<16xf32>
        %ge3A_554 = arith.cmpf oge, %get3A_549, %ge3A_553 : vector<16xf32>
        %select_n3A_555 = arith.select %ge3A_554, %get3A_540, %add3A_551 : vector<16xi1>, vector<16xf32>
        %mul3A_556 = arith.constant 8 : i32
        %mul3A_557 = arith.muli %scan3A_363, %mul3A_556 : i32
        %add3A_558 = arith.constant 5 : i32
        %add3A_559 = arith.addi %mul3A_557, %add3A_558 : i32
        %mul3A_560 = arith.constant 16 : i32
        %mul3A_561 = arith.muli %add3A_559, %mul3A_560 : i32
        %swap3A_562 = arith.index_cast %mul3A_561 : i32 to index
        %swap3A_563 = tpu.vector_load %arg6[%swap3A_562] {strides = array<i32>} : memref<50176xf32, #tpu.memory_space<vmem>>, vector<16xf32>,
        %swap3A_564 = vector.shape_cast %swap3A_563 : vector<16xf32> to vector<16xf32>
        %swap3A_565 = vector.shape_cast %select_n3A_555 : vector<16xf32> to vector<16xf32>
        tpu.vector_store %arg6[%swap3A_562], %swap3A_565 {strides = array<i32>} : memref<50176xf32, #tpu.memory_space<vmem>>, vector<16xf32>,
        %mul3A_566 = arith.constant 8 : i32
        %mul3A_567 = arith.muli %scan3A_363, %mul3A_566 : i32
        %add3A_568 = arith.constant 6 : i32
        %add3A_569 = arith.addi %mul3A_567, %add3A_568 : i32
        %mul3A_570 = arith.constant 16 : i32
        %mul3A_571 = arith.muli %add3A_569, %mul3A_570 : i32
        %get3A_572 = arith.index_cast %mul3A_571 : i32 to index
        %get3A_573 = tpu.vector_load %arg6[%get3A_572] {strides = array<i32>} : memref<50176xf32, #tpu.memory_space<vmem>>, vector<16xf32>,
        %get3A_574 = vector.shape_cast %get3A_573 : vector<16xf32> to vector<16xf32>
        %mul3A_575 = arith.constant 8 : i32
        %mul3A_576 = arith.muli %scan3A_363, %mul3A_575 : i32
        %add3A_577 = arith.constant 6 : i32
        %add3A_578 = arith.addi %mul3A_576, %add3A_577 : i32
        %mul3A_579 = arith.constant 16 : i32
        %mul3A_580 = arith.muli %add3A_578, %mul3A_579 : i32
        %get3A_581 = arith.index_cast %mul3A_580 : i32 to index
        %get3A_582 = tpu.vector_load %arg5[%get3A_581] {strides = array<i32>} : memref<50176xf32, #tpu.memory_space<vmem>>, vector<16xf32>,
        %get3A_583 = vector.shape_cast %get3A_582 : vector<16xf32> to vector<16xf32>
        %mul3A_584 = arith.mulf %get3A_574, %div3A_353 : vector<16xf32>
        %add3A_585 = arith.addf %mul3A_584, %sub3A_355 : vector<16xf32>
        %ge3A_586 = arith.constant 5.000000e-01 : f32
        %ge3A_587 = vector.broadcast %ge3A_586 : f32 to vector<16xf32>
        %ge3A_588 = arith.cmpf oge, %get3A_583, %ge3A_587 : vector<16xf32>
        %select_n3A_589 = arith.select %ge3A_588, %get3A_574, %add3A_585 : vector<16xi1>, vector<16xf32>
        %mul3A_590 = arith.constant 8 : i32
        %mul3A_591 = arith.muli %scan3A_363, %mul3A_590 : i32
        %add3A_592 = arith.constant 6 : i32
        %add3A_593 = arith.addi %mul3A_591, %add3A_592 : i32
        %mul3A_594 = arith.constant 16 : i32
        %mul3A_595 = arith.muli %add3A_593, %mul3A_594 : i32
        %swap3A_596 = arith.index_cast %mul3A_595 : i32 to index
        %swap3A_597 = tpu.vector_load %arg6[%swap3A_596] {strides = array<i32>} : memref<50176xf32, #tpu.memory_space<vmem>>, vector<16xf32>,
        %swap3A_598 = vector.shape_cast %swap3A_597 : vector<16xf32> to vector<16xf32>
        %swap3A_599 = vector.shape_cast %select_n3A_589 : vector<16xf32> to vector<16xf32>
        tpu.vector_store %arg6[%swap3A_596], %swap3A_599 {strides = array<i32>} : memref<50176xf32, #tpu.memory_space<vmem>>, vector<16xf32>,
        %mul3A_600 = arith.constant 8 : i32
        %mul3A_601 = arith.muli %scan3A_363, %mul3A_600 : i32
        %add3A_602 = arith.constant 7 : i32
        %add3A_603 = arith.addi %mul3A_601, %add3A_602 : i32
        %mul3A_604 = arith.constant 16 : i32
        %mul3A_605 = arith.muli %add3A_603, %mul3A_604 : i32
        %get3A_606 = arith.index_cast %mul3A_605 : i32 to index
        %get3A_607 = tpu.vector_load %arg6[%get3A_606] {strides = array<i32>} : memref<50176xf32, #tpu.memory_space<vmem>>, vector<16xf32>,
        %get3A_608 = vector.shape_cast %get3A_607 : vector<16xf32> to vector<16xf32>
        %mul3A_609 = arith.constant 8 : i32
        %mul3A_610 = arith.muli %scan3A_363, %mul3A_609 : i32
        %add3A_611 = arith.constant 7 : i32
        %add3A_612 = arith.addi %mul3A_610, %add3A_611 : i32
        %mul3A_613 = arith.constant 16 : i32
        %mul3A_614 = arith.muli %add3A_612, %mul3A_613 : i32
        %get3A_615 = arith.index_cast %mul3A_614 : i32 to index
        %get3A_616 = tpu.vector_load %arg5[%get3A_615] {strides = array<i32>} : memref<50176xf32, #tpu.memory_space<vmem>>, vector<16xf32>,
        %get3A_617 = vector.shape_cast %get3A_616 : vector<16xf32> to vector<16xf32>
        %mul3A_618 = arith.mulf %get3A_608, %div3A_353 : vector<16xf32>
        %add3A_619 = arith.addf %mul3A_618, %sub3A_355 : vector<16xf32>
        %ge3A_620 = arith.constant 5.000000e-01 : f32
        %ge3A_621 = vector.broadcast %ge3A_620 : f32 to vector<16xf32>
        %ge3A_622 = arith.cmpf oge, %get3A_617, %ge3A_621 : vector<16xf32>
        %select_n3A_623 = arith.select %ge3A_622, %get3A_608, %add3A_619 : vector<16xi1>, vector<16xf32>
        %mul3A_624 = arith.constant 8 : i32
        %mul3A_625 = arith.muli %scan3A_363, %mul3A_624 : i32
        %add3A_626 = arith.constant 7 : i32
        %add3A_627 = arith.addi %mul3A_625, %add3A_626 : i32
        %mul3A_628 = arith.constant 16 : i32
        %mul3A_629 = arith.muli %add3A_627, %mul3A_628 : i32
        %swap3A_630 = arith.index_cast %mul3A_629 : i32 to index
        %swap3A_631 = tpu.vector_load %arg6[%swap3A_630] {strides = array<i32>} : memref<50176xf32, #tpu.memory_space<vmem>>, vector<16xf32>,
        %swap3A_632 = vector.shape_cast %swap3A_631 : vector<16xf32> to vector<16xf32>
        %swap3A_633 = vector.shape_cast %select_n3A_623 : vector<16xf32> to vector<16xf32>
        tpu.vector_store %arg6[%swap3A_630], %swap3A_633 {strides = array<i32>} : memref<50176xf32, #tpu.memory_space<vmem>>, vector<16xf32>,
        %scan3A_634 = arith.constant 0 : i32
        scf.yield %scan3A_634 : i32
      }
      %scan3A_362 = arith.constant 392 : i32
      "tpu.region"() ({
        %run_scoped3A = tpu.sem_alloc : memref<!tpu.dma_semaphore, #tpu.memory_space<semaphore_mem>>
        %dma_start3A = arith.constant 0 : i32
        %dma_start3A_363 = tpu.memref_slice %arg4[%add3A_77, %dma_start3A] : memref<768x50176xf32, #tpu.memory_space<hbm>> -> memref<1x50176xf32, #tpu.memory_space<hbm>>
        %dma_start3A_364 = tpu.memref_squeeze %dma_start3A_363 : memref<1x50176xf32, #tpu.memory_space<hbm>> -> memref<50176xf32, #tpu.memory_space<hbm>>
        %dma_start3A_365 = arith.constant 0 : i32
        %dma_start3A_366 = tpu.memref_slice %arg4[%add3A_77, %dma_start3A_365] : memref<768x50176xf32, #tpu.memory_space<hbm>> -> memref<1x50176xf32, #tpu.memory_space<hbm>>
        %dma_start3A_367 = tpu.memref_squeeze %dma_start3A_366 : memref<1x50176xf32, #tpu.memory_space<hbm>> -> memref<50176xf32, #tpu.memory_space<hbm>>
        tpu.enqueue_dma source(%arg6 : memref<50176xf32, #tpu.memory_space<vmem>>) target(%dma_start3A_367 : memref<50176xf32, #tpu.memory_space<hbm>>) target_semaphore(%run_scoped3A : memref<!tpu.dma_semaphore, #tpu.memory_space<semaphore_mem>>)
        %dma_wait3A = arith.constant 0 : i32
        %dma_wait3A_368 = tpu.memref_slice %arg4[%add3A_77, %dma_wait3A] : memref<768x50176xf32, #tpu.memory_space<hbm>> -> memref<1x50176xf32, #tpu.memory_space<hbm>>
        %dma_wait3A_369 = tpu.memref_squeeze %dma_wait3A_368 : memref<1x50176xf32, #tpu.memory_space<hbm>> -> memref<50176xf32, #tpu.memory_space<hbm>>
        %dma_wait3A_370 = arith.constant 0 : i32
        %dma_wait3A_371 = tpu.memref_slice %arg4[%add3A_77, %dma_wait3A_370] : memref<768x50176xf32, #tpu.memory_space<hbm>> -> memref<1x50176xf32, #tpu.memory_space<hbm>>
        %dma_wait3A_372 = tpu.memref_squeeze %dma_wait3A_371 : memref<1x50176xf32, #tpu.memory_space<hbm>> -> memref<50176xf32, #tpu.memory_space<hbm>>
        tpu.wait_dma2 semaphore(%run_scoped3A : memref<!tpu.dma_semaphore, #tpu.memory_space<semaphore_mem>>) src(%arg6 : memref<50176xf32, #tpu.memory_space<vmem>>) dst(%dma_wait3A_372 : memref<50176xf32, #tpu.memory_space<hbm>>)
        tpu.yield
      }) : () -> ()
    }
    %scan3A_75 = arith.constant 24 : i32
    return
  }
}

</mosaic_0001>

<sc_bundles>
// kernel: kernel.3.cloned.1.call-start
scs
__scs_entry_jumppad:
0x0: {  	(pc) =	sbr.rel $0x88, $3  }
0x1: {  	(tag) =	ssettag $0x0;
	lr =	simm.s32 $0x1  }
0x2: {  	[smem:$0x3F9F] =	sst lr;
	_ =	strace $0xD0000000  }
0x3: {  	_ = 	snop  }
0x4: {  	_ = 	snop  }
0x5: {  	_ = 	snop  }
0x6: {  	_ = 	snop  }
0x7: {  	_ = 	snop  }
__scs_overlays_trampoline_lowered:
0x8: {  	[smem:$0x3FAE] =	sst s0  }
0x9: {  	[smem:$0x3FAF] =	sst s1  }
0xa: {  	[smem:$0x3FB0] =	sst s2  }
0xb: {  	[smem:$0x3FB1] =	sst s3  }
0xc: {  	[smem:$0x3FB2] =	sst s4  }
0xd: {  	[smem:$0x3FB3] =	sst s5  }
0xe: {  	[smem:$0x3FB4] =	sst s6  }
0xf: {  	[smem:$0x3FB5] =	sst s7  }
0x10: {  	[smem:$0x3FB6] =	sst s8  }
0x11: {  	[smem:$0x3FB7] =	sst s9;
	s0 =	simm.s32 @!p0 $0x0  }
0x12: {  	s1 =	sld [smem:$0x3F9D];
	s0 =	simm.s32 @p0 $0x1  }
0x13: {  	[smem:$0x3FB8] =	sst s0;
	s0 =	simm.s32 @!p1 $0x0  }
0x14: {  	s2 =	sld [smem:$0x3F9C];
	s0 =	simm.s32 @p1 $0x1  }
0x15: {  	[smem:$0x3FB9] =	sst s0;
	s0 =	simm.s32 @!p2 $0x0  }
0x16: {  	s3 =	sld [smem:$0x3FDB];
	s0 =	simm.s32 @p2 $0x1  }
0x17: {  	s4 =	simm.s32 $0x1BF5;
	[smem:$0x3FBB] =	sst s0  }
0x18: {  	s0 =	sld [smem:$0x3F9E];
	_ =	swait.ge [sflag:s4], $0x0  }
0x19: {  	s7 =	sld [smem:$0x3F9F]  }
0x1a: {  	s8 =	sadd.s32 $0xFFFFE003, lr  }
0x1b: {  	s9 =	sadd.s32 $0xFFFFFEF7, lr;
	s5 =	simm.s32 $0xFFFFFFFF;
	p2 =	slt.u32 s8, $0xFFFFF086  }
0x1c: {  	p1 =	slt.u32 s9, $0xF7A;
	s5 =	simm.s32 @!p2 $0x0  }
0x1d: {  	s5 =	simm.s32 @p1 $0x1;
	p0 =	seq.s32 s7, s2  }
0x1e: {  	s7 =	smul.u32 @!p0 $0xF7A, s2;
	p2 =	seq.s32 @!p0 s5, $0x0  }
0x1f: {  	s9 =	smul.u32 $0xF7A, s1;
	s8 =	simm.s32 @!p0 $0x1BF5;
	p2 =	por !p2, p0  }
0x20: {  	[sflag:s8] =	ssyncset.s32 @!p0 $0xFFFFF086;
	s6 =	sadd.s32 @!p0 s3, s7;
	s7 =	simm.s32 @!p0 $0x108  }
0x21: {  	s3 =	sadd.s32 s3, s9;
	s6 =	sadd.s32 @!p0 $0x88, s6;
	s7 =	simm.s32 @p2 $0x1082  }
0x22: {  	[simem:s7], [sflag:s8] =	dma.local @!p0 [hbm:s6], $0xF7A  }
0x23: {  	s9 =	sor.u32 $0xD0000000, s2;
	s6 =	simm.s32 $0x108;
	_ =	swait.ge @!p0 [sflag:s8], $0x0  }
0x24: {  	s3 =	sadd.s32 $0x88, s3;
	s6 =	simm.s32 @!p1 $0x1082;
	[sflag:s4] =	ssyncset.s32 $0xFFFFF086  }
0x25: {  	[simem:s6], [sflag:s4] =	dma.local [hbm:s3], $0xF7A  }
0x26: {  	[smem:$0x3F9F] =	sst s1;
	(tag) =	ssettag s2;
	_ =	strace s9  }
0x27: {  	s1 =	sld [smem:$0x3FAF]  }
0x28: {  	s2 =	sld [smem:$0x3FB0]  }
0x29: {  	s4 =	sld [smem:$0x3FB2]  }
0x2a: {  	p0 =	seq.s32 s5, $0x0;
	s5 =	sld [smem:$0x3FB3]  }
0x2b: {  	s6 =	sld [smem:$0x3FB4]  }
0x2c: {  	s7 =	sld [smem:$0x3FB5]  }
0x2d: {  	s3 =	simm.s32 $0x108;
	s8 =	sld [smem:$0x3FB6]  }
0x2e: {  	s3 =	simm.s32 @!p0 $0x1082;
	s9 =	sld [smem:$0x3FB7]  }
0x2f: {  	lr =	sadd.s32 s0, s3;
	s0 =	sld [smem:$0x3FAE]  }
0x30: {  	s3 =	sld [smem:$0x3FB1]  }
0x31: {  	[smem:$0x3FBA] =	sst s10  }
0x32: {  	s10 =	sld [smem:$0x3FB8];
	_ =	sdelay $0x3  }
0x33: {  	p0 =	seq.s32 s10, $0x1;
	s10 =	sld [smem:$0x3FBA];
	_ =	sdelay $0x3  }
0x34: {  	[smem:$0x3FBA] =	sst s10  }
0x35: {  	s10 =	sld [smem:$0x3FB9];
	_ =	sdelay $0x3  }
0x36: {  	p1 =	seq.s32 s10, $0x1;
	s10 =	sld [smem:$0x3FBA];
	_ =	sdelay $0x3  }
0x37: {  	[smem:$0x3FBA] =	sst s10  }
0x38: {  	s10 =	sld [smem:$0x3FBB]  }
0x39: {  	_ = 	snop;
	(pc) =	sbr.ind lr, $3  }
0x3a: {  	_ = 	snop  }
0x3b: {  	_ = 	snop  }
0x3c: {  	p2 =	seq.s32 s10, $0x1;
	s10 =	sld [smem:$0x3FBA]  }
0x3d: {  	_ =	shalt  }
0x3e: {  	_ =	shalt  }
0x3f: {  	_ =	shalt  }
0x40: {  	_ =	shalt  }
0x41: {  	_ =	shalt  }
0x42: {  	_ =	shalt  }
0x43: {  	_ =	shalt  }
0x44: {  	_ =	shalt  }
0x45: {  	_ =	shalt  }
0x46: {  	_ =	shalt  }
0x47: {  	_ =	shalt  }
0x48: {  	_ =	shalt  }
0x49: {  	_ =	shalt  }
0x4a: {  	_ =	shalt  }
0x4b: {  	_ =	shalt  }
0x4c: {  	_ =	shalt  }
0x4d: {  	_ =	shalt  }
0x4e: {  	_ =	shalt  }
0x4f: {  	_ =	shalt  }
0x50: {  	_ =	shalt  }
0x51: {  	_ =	shalt  }
0x52: {  	_ =	shalt  }
0x53: {  	_ =	shalt  }
0x54: {  	_ =	shalt  }
0x55: {  	_ =	shalt  }
0x56: {  	_ =	shalt  }
0x57: {  	_ =	shalt  }
0x58: {  	_ =	shalt  }
0x59: {  	_ =	shalt  }
0x5a: {  	_ =	shalt  }
0x5b: {  	_ =	shalt  }
0x5c: {  	_ =	shalt  }
0x5d: {  	_ =	shalt  }
0x5e: {  	_ =	shalt  }
0x5f: {  	_ =	shalt  }
0x60: {  	_ =	shalt  }
0x61: {  	_ =	shalt  }
0x62: {  	_ =	shalt  }
0x63: {  	_ =	shalt  }
0x64: {  	_ =	shalt  }
0x65: {  	_ =	shalt  }
0x66: {  	_ =	shalt  }
0x67: {  	_ =	shalt  }
0x68: {  	_ =	shalt  }
0x69: {  	_ =	shalt  }
0x6a: {  	_ =	shalt  }
0x6b: {  	_ =	shalt  }
0x6c: {  	_ =	shalt  }
0x6d: {  	_ =	shalt  }
0x6e: {  	_ =	shalt  }
0x6f: {  	_ =	shalt  }
0x70: {  	_ =	shalt  }
0x71: {  	_ =	shalt  }
0x72: {  	_ =	shalt  }
0x73: {  	_ =	shalt  }
0x74: {  	_ =	shalt  }
0x75: {  	_ =	shalt  }
0x76: {  	_ =	shalt  }
0x77: {  	_ =	shalt  }
0x78: {  	_ =	shalt  }
0x79: {  	_ =	shalt  }
0x7a: {  	_ =	shalt  }
0x7b: {  	_ =	shalt  }
0x7c: {  	_ =	shalt  }
0x7d: {  	_ =	shalt  }
0x7e: {  	_ =	shalt  }
0x7f: {  	_ =	shalt  }
0x80: {  	_ =	shalt  }
0x81: {  	_ =	shalt  }
0x82: {  	_ =	shalt  }
0x83: {  	_ =	shalt  }
0x84: {  	_ =	shalt  }
0x85: {  	_ =	shalt  }
0x86: {  	_ =	shalt  }
0x87: {  	_ =	shalt  }
.Lfunc_end0:
.L_simem_size_0:
called_computation_lowered:
.L_overlay_start_0:
0x88: {  	s2 =	sld [smem:$0x3FD9]  }
0x89: {  	s3 =	sld [smem:$0x3FFE];
	_ =	sdelay $0x1  }
0x8a: {  	s1 =	srdreg.scid  }
0x8b: {  	s0 =	sand.u32 $0x1, s1  }
0x8c: {  	s17 =	sshll.u32 s0, $0xA;
	s2 =	sadd.s32 s3, s2  }
0x8d: {  	s2 =	sadd.s32 s2, s17  }
0x8e: {  	[smem:$0x3FC6] =	sst s2  }
0x8f: {  	_ = 	snop  }
0x90: {  	s2 =	sld [smem:$0x3FD0];
	(tm) =	ssettm $0x1  }
0x91: {  	s18 =	sld [smem:$0x3FFB];
	_ =	sdelay $0x3  }
0x92: {  	_ =	strace s18  }
0x93: {  	s3 =	sld [smem:$0x3FFC];
	_ =	sdelay $0x3  }
0x94: {  	_ =	strace s3  }
0x95: {  	s3 =	sld [smem:$0x3FFD];
	_ =	sdelay $0x3  }
0x96: {  	_ =	strace s3  }
0x97: {  	_ =	strace $0x8FFFFFFF  }
0x98: {  	s19 =	sld [smem:$0x3FDB];
	_ =	sdelay $0x1  }
0x99: {  	s4 =	simm.s32 $_scs_section_size  }
0x9a: {  	s5 =	simm.s32 $_size__tile_overlayer_lowered;
	s6 =	simm.s32 $_tile_overlayer_lowered  }
0x9b: {  	s22 =	simm.s32 $0x1BFF;
	s21 =	sshll.u32 s6, $0x1;
	s3 =	sadd.s32 s4, s19  }
0x9c: {  	s7 =	simm.s32 $0x0;
	s20 =	sshll.u32 s5, $0x1;
	s5 =	sadd.s32 s21, s3  }
0x9d: {  	[timem:s7], [sflag:s22] =	dma.local [hbm:s5], s20  }
0x9e: {  	_ =	swait.ge [sflag:s22], s20  }
0x9f: {  	s4 =	ssub.s32 $0x0, s20;
	[sflag:s22] =	ssyncset.done $0x0  }
0xa0: {  	[sflag:s22] =	ssyncadd.s32 s4;
	_ =	sdelay $0x1  }
0xa1: {  	s23 =	simm.s32 $0x1B8B  }
0xa2: {  	_ =	swait.ge [sflag:s23], $0x1  }
0xa3: {  	[sflag:s23] =	ssyncset.done $0x0  }
0xa4: {  	s25 =	simm.s32 $0x1B8E;
	s24 =	sld [smem:$0x3FFE];
	[sflag:s23] =	ssyncadd.s32 $0xFFFFFFFF  }
0xa5: {  	s26 =	simm.s32 $execute0_lowered;
	[smem:$0x3FD2] =	sst s25  }
0xa6: {  	s5 =	sshll.u32 s26, $0x1;
	_ =	strace $0x80000046;
	[dreg:$0x1] =	wrdreg $0xFFFFFFFF  }
0xa7: {  	s28 =	simm.s32 $_size_execute0_lowered;
	s3 =	sadd.s32 s3, s5;
	[dreg:$0x0] =	wrdreg $0x0  }
0xa8: {  	s5 =	sshll.u32 s28, $0x1;
	[dreg:$0x2] =	wrdreg s3  }
0xa9: {  	[dreg:$0x3] =	wrdreg s5  }
0xaa: {  	[dreg:$0x4] =	wrdreg $0xC0  }
0xab: {  	_ =	task [dreg:s7], $0x5FFFF  }
0xac: {  	[dreg:$0x1] =	wrdreg $0xFFFFFFFF  }
0xad: {  	[dreg:$0x0] =	wrdreg $0x60  }
0xae: {  	[dreg:$0x2] =	wrdreg s2  }
0xaf: {  	[dreg:$0x3] =	wrdreg s24  }
0xb0: {  	[dreg:$0x4] =	wrdreg $0x9  }
0xb1: {  	_ =	task.clear_ibuf [dreg:s7], $0x5FFFF;
	_ =	strace $0x90000046  }
0xb2: {  	s29 =	simm.s32 $0x9;
	_ =	strace $0x80000048  }
0xb3: {  	_ =	swait.ge [sflag:s29], $0x1  }
0xb4: {  	[sflag:s29] =	ssyncadd.s32 $0xFFFFFFFF  }
0xb5: {  	_ =	strace $0x90000048  }
0xb6: {  	_ =	sfence  }
0xb7: {  	s30 =	sld [smem:$0x0];
	_ =	sdelay $0x2  }
0xb8: {  	s31 =	sshll.u32 s1, $0xD;
	s1 =	sshrl.u32 s1, $0x2  }
0xb9: {  	s3 =	sand.u32 $0x4000, s31;
	s1 =	sadd.s32 s1, s30  }
0xba: {  	s0 =	sor.u32 s3, s0;
	s1 =	sshll.u32 s1, $0x11  }
0xbb: {  	s0 =	sor.u32 s1, s0  }
0xbc: {  	s0 =	sadd.s32 $0x8F2B, s0  }
0xbd: {  	[sflag:s0] =	ssyncadd.remote.s32 $0x1  }
0xbe: {  	_ =	sfence.sel $0xFFFF  }
0xbf: {  	[dreg:$0x0] =	wrdreg $0xFFFFFFFF;
	(pc) =	sbr.abs _section_cstart, $3  }
0xc0: {  	[dreg:$0x1] =	wrdreg $0xFFFFFFFF  }
0xc1: {  	_ =	task.clear_ibuf [dreg:s7], $0x2FFFF;
	_ =	strace $0x9FFFFFFF  }
0xc2: {  	(tm) =	ssettm $0x7FFFFFFF  }
0xc3: {  	_ =	shalt  }
tec
execute0_lowered:
.L_overlay_start_1:
0x0: {  	(tag) =	ssettag $0x1  }
0x1: {  	v0 =	vimm.s32 $0xFEDCBA98;
	v1 =	vimm.s32 $0x76543210  }
0x2: {  	s0 =	rddreg [dreg:$0x0];
	v3 =	vimm.s32 $0xBA987654;
	v4 =	vimm.s32 $0x10FEDCBA;
	v5 =	vimm.s32 $0x98765432  }
0x3: {  	s4 =	rddreg [dreg:$0x1];
	v6 =	vimm.s32 $0xFEDCBA9;
	v7 =	vimm.s32 $0x87654321;
	v0 =	vunpack.c.l.s4.s8 v0  }
0x4: {  	s1 =	rddreg [dreg:$0x2];
	v1 =	vunpack.c.l.s4.s8 v1;
	v3 =	vunpack.c.l.s4.s8 v3;
	v4 =	vunpack.c.l.s4.s8 v4  }
0x5: {  	s3 =	simm.s32 $0x0;
	s2 =	stileid.u32;
	s5 =	srdreg.scid;
	v5 =	vunpack.c.l.s4.s8 v5;
	v2 =	vunpack.c.0.s8.s32 v0;
	v0 =	vimm.s32 $0x3210FEDC  }
0x6: {  	s10 =	simm.s32 $0x1;
	s11 =	simm.s32 $0x400;
	s12 =	simm.s32 $0xC400;
	v6 =	vunpack.c.l.s4.s8 v6;
	v7 =	vunpack.c.l.s4.s8 v7;
	v0 =	vunpack.c.l.s4.s8 v0  }
0x7: {  	s13 =	simm.s32 $0x0;
	[smem:$0x7FF] =	sst s3;
	s6 =	sshll.u32 s2, $0x2;
	v3 =	vunpack.c.0.s8.s32 v3;
	v4 =	vunpack.c.0.s8.s32 v4;
	v5 =	vunpack.c.0.s8.s32 v5  }
0x8: {  	s5 =	sand.u32 $0x1, s5;
	s9 =	sshll.u32 s2, $0x1;
	_ =	strace $0x80000047;
	v6 =	vunpack.c.0.s8.s32 v6;
	v7 =	vunpack.c.0.s8.s32 v7;
	v0 =	vunpack.c.0.s8.s32 v0  }
0x9: {  	s6 =	sand.u32 $0x30, s6;
	s7 =	ssub.s32 $0x2, s5;
	s5 =	sor.u32 s5, s9;
	v8 =	vunpack.c.0.s8.s32 v1;
	v1 =	vcombine.low v5, v4  }
0xa: {  	s9 =	simm.s32 $0x200;
	s6 =	sadd.s32 s6, s4;
	s8 =	sshrl.u32 s7, $0x1;
	v9 =	vand.u32 $0xF, v2;
	v2 =	vcombine.low v7, v6;
	v0 =	vcombine.low v3, v0  }
0xb: {  	s4 =	sadd.s32 $0x6600, s4;
	s5 =	smul.u32 $0x18, s5;
	s7 =	ssub.s32 s7, s8;
	v4 =	vcombine.low v9, v8;
	v6 =	vand.u32 $0xF, v1  }
0xc: {  	s6 =	sadd.s32 $0x400, s6;
	s8 =	simm.s32 $0x80;
	s7 =	smax.u32 s7, $0x1;
	v7 =	vand.u32 $0xF, v2;
	v3 =	vimm.f32 $0.0e+00;
	v5 =	vand.u32 $0xF, v0  }
.LBB2_1:
0xd: {  	[tilespmem:s3], [sflag:$0x1] =	stream.strided.gather [hbm4b:s6+s8], $0xC400, s9, s8, $0x38;
	[tilespmem:$0x18800] =	vst v63  }
0xe: {  	_ =	swait.ge [sflag:s10], $0xC400  }
0xf: {  	[sflag:s10] =	ssyncset.done $0x0  }
0x10: {  	s14 =	simm.s32 $0x0;
	[sflag:s10] =	ssyncadd.s32 $0xFFFF3C00  }
0x11: {  	v8 =	vld [tilespmem:s14+$0x0];
	_ =	sdelay $0x1  }
0x12: {  	v9 =	vld [tilespmem:s14+$0x10];
	_ =	sdelay $0x1  }
0x13: {  	v10 =	vld [tilespmem:s14+$0x20]  }
0x14: {  	vm0 =	vge.f32 v8, $5.000000000e-01  }
0x15: {  	v11 =	vld [tilespmem:s14+$0x30];
	v8 =	vsel vm0, $0x3F800000, v3  }
0x16: {  	vm0 =	vge.f32 v9, $5.000000000e-01;
	v8 =	vadd.f32 v8, v3  }
0x17: {  	v9 =	vsel vm0, $0x3F800000, v3  }
0x18: {  	v12 =	vld [tilespmem:s14+$0x40];
	vm0 =	vge.f32 v10, $5.000000000e-01;
	v8 =	vadd.f32 v9, v8  }
0x19: {  	v9 =	vsel vm0, $0x3F800000, v3  }
0x1a: {  	v13 =	vld [tilespmem:s14+$0x50];
	vm0 =	vge.f32 v11, $5.000000000e-01;
	v8 =	vadd.f32 v9, v8  }
0x1b: {  	v9 =	vsel vm0, $0x3F800000, v3  }
0x1c: {  	v10 =	vadd.f32 v9, v8;
	v9 =	vld [tilespmem:s14+$0x60]  }
0x1d: {  	vm0 =	vge.f32 v12, $5.000000000e-01  }
0x1e: {  	v11 =	vsel vm0, $0x3F800000, v3;
	v8 =	vld [tilespmem:s14+$0x70]  }
0x1f: {  	s15 =	simm.s32 $0x400;
	vm0 =	vge.f32 v13, $5.000000000e-01;
	s14 =	simm.s32 $0x80;
	v10 =	vadd.f32 v11, v10  }
.LBB2_2:
0x20: {  	p0 =	sne.s32 s15, $0x30E00;
	v11 =	vld [tilespmem:s14+$0x0];
	v12 =	vsel vm0, $0x3F800000, v3  }
0x21: {  	v10 =	vadd.f32 v12, v10;
	vm0 =	vge.f32 v9, $5.000000000e-01  }
0x22: {  	v9 =	vld [tilespmem:s14+$0x10];
	v12 =	vsel vm0, $0x3F800000, v3  }
0x23: {  	v10 =	vadd.f32 v12, v10;
	vm0 =	vge.f32 v8, $5.000000000e-01  }
0x24: {  	v8 =	vld [tilespmem:s14+$0x20];
	v12 =	vsel vm0, $0x3F800000, v3  }
0x25: {  	vm0 =	vge.f32 v11, $5.000000000e-01;
	v10 =	vadd.f32 v12, v10  }
0x26: {  	v11 =	vsel vm0, $0x3F800000, v3;
	v12 =	vld [tilespmem:s14+$0x30]  }
0x27: {  	v10 =	vadd.f32 v11, v10;
	vm0 =	vge.f32 v9, $5.000000000e-01  }
0x28: {  	v9 =	vsel vm0, $0x3F800000, v3;
	v11 =	vld [tilespmem:s14+$0x40]  }
0x29: {  	v9 =	vadd.f32 v9, v10;
	vm0 =	vge.f32 v8, $5.000000000e-01  }
0x2a: {  	v8 =	vsel vm0, $0x3F800000, v3;
	v13 =	vld [tilespmem:s14+$0x50]  }
.Ltmp0:
0x2b: {  	v8 =	vadd.f32 v8, v9;
	vm0 =	vge.f32 v12, $5.000000000e-01;
	(pc) =	sbr.rel @p0 .LBB2_2-.Ltmp0, $4  }
0x2c: {  	v10 =	vsel vm0, $0x3F800000, v3;
	v9 =	vld [tilespmem:s14+$0x60]  }
0x2d: {  	v10 =	vadd.f32 v10, v8;
	vm0 =	vge.f32 v11, $5.000000000e-01  }
0x2e: {  	v11 =	vsel vm0, $0x3F800000, v3;
	v8 =	vld [tilespmem:s14+$0x70]  }
0x2f: {  	s14 =	sshra.s32 s15, $0x2;
	s15 =	sadd.s32 $0x200, s15;
	v10 =	vadd.f32 v11, v10;
	vm0 =	vge.f32 v13, $5.000000000e-01  }
0x30: {  	v11 =	vld [tilespmem:s14+$0x0];
	v12 =	vsel vm0, $0x3F800000, v3  }
0x31: {  	v10 =	vadd.f32 v12, v10;
	vm6 =	vge.f32 v9, $5.000000000e-01  }
0x32: {  	v9 =	vld [tilespmem:s14+$0x10];
	v12 =	vsel vm6, $0x3F800000, v3  }
0x33: {  	v10 =	vadd.f32 v12, v10;
	vm7 =	vge.f32 v8, $5.000000000e-01  }
0x34: {  	v8 =	vld [tilespmem:s14+$0x20];
	v12 =	vsel vm7, $0x3F800000, v3  }
0x35: {  	vm8 =	vge.f32 v11, $5.000000000e-01;
	v10 =	vadd.f32 v12, v10  }
0x36: {  	v12 =	vld [tilespmem:s14+$0x30];
	v11 =	vsel vm8, $0x3F800000, v3  }
0x37: {  	vm9 =	vge.f32 v9, $5.000000000e-01;
	v10 =	vadd.f32 v11, v10  }
0x38: {  	v9 =	vsel vm9, $0x3F800000, v3;
	v11 =	vld [tilespmem:s14+$0x40]  }
0x39: {  	vm10 =	vge.f32 v8, $5.000000000e-01;
	v9 =	vadd.f32 v9, v10  }
0x3a: {  	v8 =	vsel vm10, $0x3F800000, v3;
	v10 =	vld [tilespmem:s14+$0x50]  }
0x3b: {  	vm11 =	vge.f32 v12, $5.000000000e-01;
	v8 =	vadd.f32 v8, v9  }
0x3c: {  	v12 =	vld [tilespmem:s14+$0x60];
	v9 =	vsel vm11, $0x3F800000, v3  }
0x3d: {  	vm12 =	vge.f32 v11, $5.000000000e-01;
	v8 =	vadd.f32 v9, v8  }
0x3e: {  	v11 =	vld [tilespmem:s14+$0x70];
	v9 =	vsel vm12, $0x3F800000, v3  }
0x3f: {  	vm13 =	vge.f32 v10, $5.000000000e-01;
	v8 =	vadd.f32 v9, v8  }
0x40: {  	v9 =	vsel vm13, $0x3F800000, v3  }
0x41: {  	vm14 =	vge.f32 v12, $5.000000000e-01;
	v8 =	vadd.f32 v9, v8  }
0x42: {  	v9 =	vsel vm14, $0x3F800000, v3  }
0x43: {  	vm15 =	vge.f32 v11, $5.000000000e-01;
	v8 =	vadd.f32 v9, v8  }
0x44: {  	v9 =	vsel vm15, $0x3F800000, v3  }
0x45: {  	v8 =	vadd.f32 v9, v8;
	_ =	sdelay $0x1  }
0x46: {  	v9 =	vperm.xlane v8, v4;
	_ =	sdelay $0x1  }
0x47: {  	v8 =	vadd.f32 v9, v8;
	_ =	sdelay $0x1  }
0x48: {  	v9 =	vperm.xlane v8, v0;
	_ =	sdelay $0x1  }
0x49: {  	v8 =	vadd.f32 v9, v8;
	_ =	sdelay $0x1  }
0x4a: {  	v9 =	vperm.xlane v8, v1;
	_ =	sdelay $0x1  }
0x4b: {  	v8 =	vadd.f32 v9, v8;
	_ =	sdelay $0x1  }
0x4c: {  	v9 =	vperm.xlane v8, v2;
	_ =	sdelay $0x1  }
0x4d: {  	v8 =	vadd.f32 v9, v8;
	_ =	sdelay $0x1  }
0x4e: {  	v9 =	vsub.f32 $5.017600000e+04, v8  }
0x4f: {  	(erf) = vrcp.f32 v8;
	v10 =	vadd.f32 $-1.000000000e+00, v8  }
0x50: {  	(erf) = vrcp.f32 v9;
	v11 =	vadd.f32 $-1.000000000e+00, v9  }
0x51: {  	(erf) = vrcp.f32 v10  }
0x52: {  	(erf) = vrcp.f32 v11;
	_ =	sdelay $0x5  }
0x53: {  	v10 =	vpop (erf)  }
0x54: {  	v11 =	vpop (erf)  }
0x55: {  	v12 =	vpop (erf)  }
0x56: {  	s14 =	simm.s32 $0x0;
	v13 =	vpop (erf)  }
.LBB2_4:
0x57: {  	s15 =	sadd.s32 s5, s14  }
0x58: {  	s15 =	sshrl.u32 s15, $0x3  }
0x59: {  	s16 =	sshll.u32 s14, $0x7;
	s15 =	smul.u32 $0x62000, s15  }
0x5a: {  	s16 =	sand.u32 $0x380, s16  }
0x5b: {  	s15 =	sor.u32 s16, s15  }
0x5c: {  	s15 =	sshrl.u32 s15, $0x3  }
0x5d: {  	s30 =	sadd.s32 s0, s15  }
0x5e: {  	[tilespmem:s12], [sflag:$0x1] =	stream.strided.gather [hbm4b:s30+s8], $0xC400, s11, s8, $0x38;
	[tilespmem:$0x18800] =	vst v63  }
0x5f: {  	_ =	swait.ge [sflag:s10], $0xC400  }
0x60: {  	[sflag:s10] =	ssyncset.done $0x0  }
0x61: {  	s31 =	simm.s32 $0x0;
	[sflag:s10] =	ssyncadd.s32 $0xFFFF3C00  }
0x62: {  	v14 =	vld [tilespmem:s31+$0x70]  }
0x63: {  	v15 =	vld [tilespmem:s31+$0x60]  }
0x64: {  	v26 =	vld [tilespmem:s31+$0xC460]  }
0x65: {  	v16 =	vld [tilespmem:s31+$0x50]  }
0x66: {  	v17 =	vld [tilespmem:s31+$0x40]  }
0x67: {  	v18 =	vld [tilespmem:s31+$0xC440]  }
0x68: {  	v19 =	vld [tilespmem:s31+$0x30]  }
0x69: {  	v24 =	vld [tilespmem:s31+$0xC430]  }
0x6a: {  	v21 =	vld [tilespmem:s31+$0x20]  }
0x6b: {  	v22 =	vld [tilespmem:s31+$0xC420]  }
0x6c: {  	v27 =	vld [tilespmem:s31+$0x0]  }
0x6d: {  	v28 =	vld [tilespmem:s31+$0xC400]  }
0x6e: {  	v25 =	vld [tilespmem:s31+$0x10]  }
0x6f: {  	v29 =	vimm.f32 $0.0e+00;
	v30 =	vld [tilespmem:s31+$0xC410];
	vm0 =	vge.f32 v14, $5.000000000e-01;
	vm2 =	vge.f32 v16, $5.000000000e-01  }
0x70: {  	vm1 =	vge.f32 v15, $5.000000000e-01;
	v31 =	vmul.f32 v26, v26;
	vm3 =	vge.f32 v17, $5.000000000e-01  }
0x71: {  	v32 =	vmul.f32 v18, v18;
	vm5 =	vge.f32 v21, $5.000000000e-01;
	vm4 =	vge.f32 v19, $5.000000000e-01  }
0x72: {  	v17 =	vmul.f32 v24, v24;
	vm6 =	vge.f32 v27, $5.000000000e-01;
	v14 =	vmul.f32 v28, v28  }
0x73: {  	v16 =	vmul.f32 v22, v22;
	vm7 =	vge.f32 v25, $5.000000000e-01;
	v25 =	vadd.f32 v28, v29  }
0x74: {  	v23 =	vld [tilespmem:s31+$0xC450];
	v21 =	vmul.f32 v30, v30;
	v15 =	vnsel vm6, $0x0, v28;
	v27 =	vadd.f32 v14, v29  }
0x75: {  	v14 =	vnsel vm6, $0x0, v14;
	v15 =	vadd.f32 v15, v29;
	v25 =	vadd.f32 v30, v25  }
0x76: {  	s16 =	simm.s32 $0x80;
	v20 =	vld [tilespmem:s31+$0xC470];
	v28 =	vadd.f32 v14, v29;
	v29 =	vnsel vm7, $0x0, v30;
	v27 =	vadd.f32 v21, v27  }
0x77: {  	v19 =	vld [tilespmem:s16+$0x70];
	v30 =	vnsel vm7, $0x0, v21;
	v29 =	vadd.f32 v29, v15;
	v25 =	vadd.f32 v22, v25  }
0x78: {  	v14 =	vld [tilespmem:s16+$0xC470];
	v28 =	vadd.f32 v30, v28;
	v30 =	vnsel vm5, $0x0, v22;
	v27 =	vadd.f32 v16, v27  }
0x79: {  	v33 =	vmul.f32 v23, v23;
	v21 =	vld [tilespmem:s16+$0x60];
	v16 =	vnsel vm5, $0x0, v16;
	v29 =	vadd.f32 v30, v29  }
0x7a: {  	v15 =	vld [tilespmem:s16+$0xC460];
	v30 =	vnsel vm4, $0x0, v24;
	v25 =	vadd.f32 v24, v25;
	v27 =	vadd.f32 v17, v27  }
0x7b: {  	v22 =	vld [tilespmem:s16+$0x50];
	v28 =	vadd.f32 v16, v28;
	v17 =	vnsel vm4, $0x0, v17;
	v29 =	vadd.f32 v30, v29  }
0x7c: {  	v24 =	vld [tilespmem:s16+$0x40];
	v30 =	vnsel vm3, $0x0, v18;
	v34 =	vadd.f32 v18, v25;
	v27 =	vadd.f32 v32, v27  }
0x7d: {  	v61 =	vnsel vm2, $0x0, v23;
	v16 =	vld [tilespmem:s16+$0xC450];
	v28 =	vadd.f32 v17, v28;
	v29 =	vadd.f32 v30, v29  }
0x7e: {  	v18 =	vnsel vm3, $0x0, v32;
	v25 =	vld [tilespmem:s16+$0x30];
	v34 =	vadd.f32 v23, v34;
	v27 =	vadd.f32 v33, v27  }
0x7f: {  	v63 =	vnsel vm1, $0x0, v26;
	v17 =	vld [tilespmem:s16+$0xC440];
	v30 =	vadd.f32 v18, v28;
	v29 =	vadd.f32 v61, v29  }
0x80: {  	v23 =	vnsel vm2, $0x0, v33;
	v32 =	vld [tilespmem:s16+$0x0];
	v26 =	vadd.f32 v26, v34;
	v27 =	vadd.f32 v31, v27  }
0x81: {  	v18 =	vld [tilespmem:s16+$0xC430];
	v62 =	vadd.f32 v23, v30  }
0x82: {  	v36 =	vmul.f32 v20, v20;
	v28 =	vld [tilespmem:s16+$0x20];
	v31 =	vnsel vm1, $0x0, v31;
	v33 =	vadd.f32 v63, v29  }
0x83: {  	v35 =	vnsel vm0, $0x0, v20;
	v23 =	vld [tilespmem:s16+$0xC420];
	v34 =	vadd.f32 v31, v62;
	v31 =	vadd.f32 v20, v26  }
0x84: {  	s17 =	simm.s32 $0x400;
	v30 =	vld [tilespmem:s16+$0x10];
	v20 =	vmovc v14;
	v29 =	vadd.f32 v36, v27;
	v36 =	vnsel vm0, $0x0, v36;
	v26 =	vmovc v15;
	v27 =	vmov v16  }
.LBB2_5:
0x85: {  	p0 =	sne.s32 s17, $0x30E00;
	v37 =	vld [tilespmem:s16+$0xC400];
	v33 =	vadd.f32 v35, v33;
	v34 =	vadd.f32 v36, v34  }
0x86: {  	vm0 =	vge.f32 v19, $5.000000000e-01;
	v36 =	vmul.f32 v20, v14;
	v35 =	vld [tilespmem:s16+$0xC410]  }
0x87: {  	vm2 =	vge.f32 v22, $5.000000000e-01;
	vm1 =	vge.f32 v21, $5.000000000e-01;
	v38 =	vmul.f32 v26, v15  }
0x88: {  	vm3 =	vge.f32 v24, $5.000000000e-01;
	v39 =	vmul.f32 v17, v17;
	v40 =	vmul.f32 v27, v16  }
0x89: {  	vm4 =	vge.f32 v25, $5.000000000e-01;
	v24 =	vmul.f32 v18, v18;
	vm5 =	vge.f32 v28, $5.000000000e-01  }
0x8a: {  	v22 =	vmul.f32 v23, v23;
	vm6 =	vge.f32 v32, $5.000000000e-01;
	v19 =	vmul.f32 v37, v37  }
0x8b: {  	vm7 =	vge.f32 v30, $5.000000000e-01;
	v20 =	vnsel vm6, $0x0, v37;
	v21 =	vmul.f32 v35, v35  }
0x8c: {  	s16 =	sshra.s32 s17, $0x2;
	v25 =	vadd.f32 v37, v31;
	v26 =	vadd.f32 v19, v29;
	v27 =	vnsel vm6, $0x0, v19  }
0x8d: {  	v28 =	vadd.f32 v20, v33;
	v29 =	vnsel vm7, $0x0, v35;
	v19 =	vld [tilespmem:s16+$0x70];
	v27 =	vadd.f32 v27, v34  }
0x8e: {  	v25 =	vadd.f32 v35, v25;
	v20 =	vld [tilespmem:s16+$0xC470];
	v30 =	vadd.f32 v21, v26;
	v26 =	vnsel vm7, $0x0, v21  }
0x8f: {  	v28 =	vadd.f32 v29, v28;
	v29 =	vnsel vm5, $0x0, v23;
	v21 =	vld [tilespmem:s16+$0x60];
	v27 =	vadd.f32 v26, v27  }
0x90: {  	v23 =	vadd.f32 v23, v25;
	v26 =	vld [tilespmem:s16+$0xC460];
	v25 =	vadd.f32 v22, v30;
	v30 =	vnsel vm5, $0x0, v22  }
0x91: {  	v28 =	vadd.f32 v29, v28;
	v22 =	vld [tilespmem:s16+$0x50];
	v29 =	vadd.f32 v30, v27;
	v30 =	vnsel vm4, $0x0, v18  }
0x92: {  	v18 =	vadd.f32 v18, v23;
	v27 =	vld [tilespmem:s16+$0xC450];
	v23 =	vadd.f32 v24, v25;
	v25 =	vnsel vm4, $0x0, v24  }
0x93: {  	v28 =	vadd.f32 v30, v28;
	v30 =	vnsel vm3, $0x0, v17;
	v24 =	vld [tilespmem:s16+$0x40];
	v29 =	vadd.f32 v25, v29  }
0x94: {  	v31 =	vadd.f32 v17, v18;
	v18 =	vnsel vm3, $0x0, v39;
	v17 =	vld [tilespmem:s16+$0xC440];
	v23 =	vadd.f32 v39, v23  }
0x95: {  	v32 =	vnsel vm2, $0x0, v16;
	v30 =	vadd.f32 v30, v28;
	v25 =	vld [tilespmem:s16+$0x30];
	v29 =	vadd.f32 v18, v29  }
.Ltmp1:
0x96: {  	v31 =	vadd.f32 v16, v31;
	v18 =	vld [tilespmem:s16+$0xC430];
	v33 =	vadd.f32 v40, v23;
	v23 =	vnsel vm2, $0x0, v40;
	(pc) =	sbr.rel @p0 .LBB2_5-.Ltmp1, $4  }
0x97: {  	v34 =	vnsel vm1, $0x0, v15;
	v32 =	vadd.f32 v32, v30;
	v28 =	vld [tilespmem:s16+$0x20];
	v29 =	vadd.f32 v23, v29;
	v16 =	vmovc v27  }
0x98: {  	v35 =	vnsel vm1, $0x0, v38;
	v31 =	vadd.f32 v15, v31;
	v15 =	vmovc v26;
	v23 =	vld [tilespmem:s16+$0xC420];
	v37 =	vadd.f32 v38, v33  }
0x99: {  	v33 =	vadd.f32 v34, v32;
	v30 =	vld [tilespmem:s16+$0x10];
	v34 =	vadd.f32 v35, v29;
	v35 =	vnsel vm0, $0x0, v14  }
0x9a: {  	s17 =	sadd.s32 $0x200, s17;
	v31 =	vadd.f32 v14, v31;
	v14 =	vmovc v20;
	v32 =	vld [tilespmem:s16+$0x0];
	v29 =	vadd.f32 v36, v37;
	v36 =	vnsel vm0, $0x0, v36  }
0x9b: {  	v37 =	vld [tilespmem:s16+$0xC400];
	_ =	sdelay $0x1  }
0x9c: {  	v33 =	vadd.f32 v35, v33;
	v34 =	vadd.f32 v36, v34;
	v53 =	vld [tilespmem:s16+$0xC410];
	vm0 =	vge.f32 v19, $5.000000000e-01  }
0x9d: {  	vm2 =	vge.f32 v22, $5.000000000e-01;
	vm1 =	vge.f32 v21, $5.000000000e-01;
	v19 =	vmul.f32 v26, v15  }
0x9e: {  	vm3 =	vge.f32 v24, $5.000000000e-01;
	v21 =	vmul.f32 v17, v17;
	vm4 =	vge.f32 v32, $5.000000000e-01  }
0x9f: {  	v22 =	vmul.f32 v27, v16;
	vm7 =	vge.f32 v25, $5.000000000e-01;
	v24 =	vnsel vm4, $0x0, v37  }
0xa0: {  	vm6 =	vge.f32 v30, $5.000000000e-01;
	v26 =	vadd.f32 v37, v31;
	v24 =	vadd.f32 v24, v33  }
0xa1: {  	v25 =	vmul.f32 v18, v18;
	v27 =	vnsel vm6, $0x0, v53;
	v54 =	vmul.f32 v37, v37  }
0xa2: {  	vm5 =	vge.f32 v28, $5.000000000e-01;
	v26 =	vadd.f32 v53, v26;
	v24 =	vadd.f32 v27, v24  }
0xa3: {  	v56 =	vnsel vm5, $0x0, v23;
	v55 =	vmul.f32 v53, v53;
	v32 =	vnsel vm4, $0x0, v54  }
0xa4: {  	v27 =	vmul.f32 v23, v23;
	v23 =	vadd.f32 v23, v26;
	v24 =	vadd.f32 v56, v24  }
0xa5: {  	v58 =	vnsel vm7, $0x0, v18;
	v57 =	vadd.f32 v32, v34;
	v26 =	vadd.f32 v54, v29  }
0xa6: {  	v59 =	vnsel vm6, $0x0, v55;
	v18 =	vadd.f32 v18, v23;
	v23 =	vadd.f32 v58, v24  }
0xa7: {  	v60 =	vnsel vm3, $0x0, v17;
	v24 =	vadd.f32 v55, v26;
	v26 =	vadd.f32 v59, v57  }
0xa8: {  	v61 =	vnsel vm5, $0x0, v27;
	v17 =	vadd.f32 v17, v18;
	v18 =	vadd.f32 v60, v23  }
0xa9: {  	v23 =	vadd.f32 v27, v24;
	v24 =	vadd.f32 v61, v26;
	v26 =	vnsel vm2, $0x0, v16  }
0xaa: {  	v27 =	vnsel vm7, $0x0, v25;
	v16 =	vadd.f32 v16, v17;
	v17 =	vadd.f32 v26, v18  }
0xab: {  	v18 =	vadd.f32 v25, v23;
	v23 =	vadd.f32 v27, v24;
	v24 =	vnsel vm1, $0x0, v15  }
0xac: {  	v25 =	vnsel vm3, $0x0, v21;
	v15 =	vadd.f32 v15, v16;
	v16 =	vadd.f32 v24, v17  }
0xad: {  	v17 =	vadd.f32 v21, v18;
	v18 =	vadd.f32 v25, v23;
	v21 =	vnsel vm0, $0x0, v14  }
0xae: {  	v23 =	vnsel vm2, $0x0, v22;
	v15 =	vadd.f32 v14, v15;
	v16 =	vadd.f32 v21, v16  }
0xaf: {  	v17 =	vadd.f32 v22, v17;
	v18 =	vadd.f32 v23, v18  }
0xb0: {  	v21 =	vnsel vm1, $0x0, v19;
	v22 =	vperm.xlane v15, v4;
	v23 =	vperm.xlane v16, v4  }
0xb1: {  	v14 =	vmul.f32 v20, v14;
	v17 =	vadd.f32 v19, v17;
	v18 =	vadd.f32 v21, v18  }
0xb2: {  	v15 =	vadd.f32 v22, v15;
	v16 =	vadd.f32 v23, v16  }
0xb3: {  	v17 =	vadd.f32 v14, v17;
	v14 =	vnsel vm0, $0x0, v14  }
0xb4: {  	v14 =	vadd.f32 v14, v18;
	v18 =	vperm.xlane v15, v5;
	v19 =	vperm.xlane v16, v5  }
0xb5: {  	v20 =	vperm.xlane v17, v4  }
0xb6: {  	v15 =	vadd.f32 v18, v15;
	v18 =	vperm.xlane v14, v4;
	v16 =	vadd.f32 v19, v16  }
0xb7: {  	v17 =	vadd.f32 v20, v17  }
0xb8: {  	v19 =	vperm.xlane v15, v6;
	v14 =	vadd.f32 v18, v14;
	v20 =	vperm.xlane v16, v6  }
0xb9: {  	v18 =	vperm.xlane v17, v5  }
0xba: {  	v15 =	vadd.f32 v19, v15;
	v19 =	vperm.xlane v14, v5;
	v16 =	vadd.f32 v20, v16  }
0xbb: {  	v17 =	vadd.f32 v18, v17  }
0xbc: {  	v18 =	vperm.xlane v15, v7;
	v14 =	vadd.f32 v19, v14;
	v20 =	vperm.xlane v16, v7  }
0xbd: {  	v19 =	vperm.xlane v17, v6  }
0xbe: {  	v15 =	vadd.f32 v18, v15;
	v18 =	vperm.xlane v14, v6;
	v16 =	vadd.f32 v20, v16  }
0xbf: {  	v17 =	vadd.f32 v19, v17  }
0xc0: {  	v14 =	vadd.f32 v18, v14;
	v15 =	vsub.f32 v15, v16  }
0xc1: {  	v18 =	vperm.xlane v17, v7  }
0xc2: {  	v19 =	vperm.xlane v14, v7;
	v25 =	vmul.f32 v15, v11;
	_ =	sdelay $0x1  }
0xc3: {  	v15 =	vadd.f32 v18, v17;
	v14 =	vadd.f32 v19, v14;
	v17 =	vmul.f32 v25, v9;
	_ =	sdelay $0x1  }
0xc4: {  	v15 =	vsub.f32 v15, v14;
	v17 =	vmul.f32 v17, v25;
	_ =	sdelay $0x1  }
0xc5: {  	v15 =	vsub.f32 v15, v17;
	_ =	sdelay $0x1  }
0xc6: {  	v15 =	vmul.f32 v15, v13;
	_ =	sdelay $0x1  }
0xc7: {  	v17 =	vshra.s32 v15, $0x1;
	v18 =	vmul.f32 $5.000000000e-01, v15  }
0xc8: {  	v16 =	vmul.f32 v16, v10;
	v17 =	vsub.s32 $0x5F3759DF, v17  }
0xc9: {  	v19 =	vmul.f32 v17, v18  }
0xca: {  	v20 =	vmul.f32 v16, v8  }
0xcb: {  	v19 =	vmul.f32 v17, v19  }
0xcc: {  	v20 =	vmul.f32 v20, v16  }
0xcd: {  	v19 =	vsub.f32 $1.500000000e+00, v19  }
0xce: {  	v14 =	vsub.f32 v14, v20  }
0xcf: {  	v17 =	vmul.f32 v17, v19  }
0xd0: {  	v14 =	vmul.f32 v14, v12  }
0xd1: {  	v19 =	vmul.f32 v17, v18  }
0xd2: {  	v20 =	vshra.s32 v14, $0x1;
	v21 =	vmul.f32 $5.000000000e-01, v14  }
0xd3: {  	v20 =	vsub.s32 $0x5F3759DF, v20;
	v19 =	vmul.f32 v19, v17  }
0xd4: {  	v22 =	vmul.f32 v20, v21  }
0xd5: {  	v19 =	vsub.f32 $1.500000000e+00, v19  }
0xd6: {  	v22 =	vmul.f32 v20, v22  }
0xd7: {  	v17 =	vmul.f32 v19, v17  }
0xd8: {  	v19 =	vsub.f32 $1.500000000e+00, v22  }
0xd9: {  	v18 =	vmul.f32 v17, v18  }
0xda: {  	v19 =	vmul.f32 v20, v19  }
0xdb: {  	v18 =	vmul.f32 v18, v17  }
0xdc: {  	v20 =	vmul.f32 v19, v21  }
0xdd: {  	v18 =	vsub.f32 $1.500000000e+00, v18  }
0xde: {  	v20 =	vmul.f32 v20, v19  }
0xdf: {  	v17 =	vmul.f32 v18, v17  }
0xe0: {  	v18 =	vsub.f32 $1.500000000e+00, v20  }
0xe1: {  	v15 =	vmul.f32 v17, v15  }
0xe2: {  	v17 =	vmul.f32 v18, v19  }
0xe3: {  	v15 =	vadd.f32 $9.999999930e-09, v15  }
0xe4: {  	v18 =	vmul.f32 v17, v21  }
0xe5: {  	(erf) = vrcp.f32 v15  }
0xe6: {  	v15 =	vmul.f32 v18, v17;
	_ =	sdelay $0x1  }
0xe7: {  	s16 =	simm.s32 $0x0;
	v15 =	vsub.f32 $1.500000000e+00, v15  }
0xe8: {  	v62 =	vld [tilespmem:s16+$0x10]  }
0xe9: {  	v63 =	vld [tilespmem:s16+$0x20];
	v15 =	vmul.f32 v15, v17  }
0xea: {  	v27 =	vld [tilespmem:s16+$0x0]  }
0xeb: {  	v24 =	vld [tilespmem:s16+$0xC400]  }
0xec: {  	v23 =	vld [tilespmem:s16+$0x30];
	v14 =	vmul.f32 v15, v14  }
0xed: {  	v22 =	vld [tilespmem:s16+$0x40];
	v15 =	vpop (erf)  }
0xee: {  	v21 =	vld [tilespmem:s16+$0xC410];
	v15 =	vmul.f32 v15, v14  }
0xef: {  	v20 =	vld [tilespmem:s16+$0xC420]  }
0xf0: {  	v19 =	vld [tilespmem:s16+$0xC430];
	v14 =	vmul.f32 v15, v25  }
0xf1: {  	v18 =	vld [tilespmem:s16+$0xC440]  }
0xf2: {  	vm1 =	vge.f32 v62, $5.000000000e-01;
	v17 =	vld [tilespmem:s16+$0xC450];
	v26 =	vmul.f32 v24, v15;
	v14 =	vsub.f32 v16, v14  }
0xf3: {  	s17 =	simm.s32 $0x200;
	vm2 =	vge.f32 v27, $5.000000000e-01;
	vm0 =	vge.f32 v63, $5.000000000e-01;
	v25 =	vmul.f32 v21, v15;
	v16 =	vld [tilespmem:s16+$0xC460]  }
.LBB2_7:
0xf4: {  	p0 =	sne.s32 s17, $0x30E00;
	v26 =	vadd.f32 v26, v14;
	v27 =	vmul.f32 v20, v15;
	vm3 =	vge.f32 v23, $5.000000000e-01;
	v28 =	vld [tilespmem:s16+$0xC470]  }
0xf5: {  	vm4 =	vge.f32 v22, $5.000000000e-01;
	v23 =	vadd.f32 v25, v14;
	v25 =	vmul.f32 v19, v15;
	v22 =	vld [tilespmem:s16+$0x50]  }
0xf6: {  	v24 =	vsel vm2, v24, v26;
	v26 =	vadd.f32 v27, v14;
	v27 =	vmul.f32 v18, v15;
	v29 =	vld [tilespmem:s16+$0x60]  }
0xf7: {  	s18 =	sshra.s32 s17, $0x2;
	[tilespmem:s16+$0xC400] =	vst v24;
	v21 =	vsel vm1, v21, v23;
	v23 =	vadd.f32 v25, v14;
	v24 =	vmul.f32 v17, v15;
	v25 =	vld [tilespmem:s16+$0x70]  }
0xf8: {  	v30 =	vld [tilespmem:s18+$0x0];
	[tilespmem:s16+$0xC410] =	vst v21;
	v20 =	vsel vm0, v20, v26;
	v21 =	vadd.f32 v27, v14;
	v26 =	vmul.f32 v16, v15  }
0xf9: {  	v27 =	vld [tilespmem:s18+$0x10];
	[tilespmem:s16+$0xC420] =	vst v20;
	v19 =	vsel vm3, v19, v23;
	v20 =	vadd.f32 v24, v14;
	v24 =	vmul.f32 v28, v15  }
0xfa: {  	v31 =	vld [tilespmem:s18+$0x20];
	[tilespmem:s16+$0xC430] =	vst v19;
	v18 =	vsel vm4, v18, v21;
	vm0 =	vge.f32 v22, $5.000000000e-01;
	v19 =	vadd.f32 v26, v14  }
0xfb: {  	v23 =	vld [tilespmem:s18+$0x30];
	[tilespmem:s16+$0xC440] =	vst v18;
	v17 =	vsel vm0, v17, v20;
	vm0 =	vge.f32 v29, $5.000000000e-01;
	v18 =	vadd.f32 v24, v14  }
0xfc: {  	v22 =	vld [tilespmem:s18+$0x40];
	[tilespmem:s16+$0xC450] =	vst v17;
	v16 =	vsel vm0, v16, v19;
	vm0 =	vge.f32 v25, $5.000000000e-01  }
0xfd: {  	v24 =	vld [tilespmem:s18+$0xC400];
	[tilespmem:s16+$0xC460] =	vst v16;
	v16 =	vsel vm0, v28, v18  }
0xfe: {  	v21 =	vld [tilespmem:s18+$0xC410];
	[tilespmem:s16+$0xC470] =	vst v16;
	s16 =	smov.u32 s18  }
.Ltmp2:
0xff: {  	v20 =	vld [tilespmem:s16+$0xC420];
	(pc) =	sbr.rel @p0 .LBB2_7-.Ltmp2, $4  }
0x100: {  	v19 =	vld [tilespmem:s16+$0xC430]  }
0x101: {  	v18 =	vld [tilespmem:s16+$0xC440]  }
0x102: {  	vm2 =	vge.f32 v30, $5.000000000e-01;
	v26 =	vmul.f32 v24, v15;
	v17 =	vld [tilespmem:s16+$0xC450]  }
0x103: {  	s17 =	sadd.s32 $0x200, s17;
	vm1 =	vge.f32 v27, $5.000000000e-01;
	vm0 =	vge.f32 v31, $5.000000000e-01;
	v25 =	vmul.f32 v21, v15;
	v16 =	vld [tilespmem:s16+$0xC460]  }
0x104: {  	v26 =	vadd.f32 v26, v14;
	v27 =	vld [tilespmem:s16+$0xC470];
	v28 =	vmul.f32 v20, v15;
	vm3 =	vge.f32 v23, $5.000000000e-01  }
0x105: {  	v49 =	vld [tilespmem:s16+$0x50];
	vm12 =	vge.f32 v22, $5.000000000e-01;
	v25 =	vadd.f32 v25, v14;
	v29 =	vmul.f32 v19, v15  }
0x106: {  	v50 =	vld [tilespmem:s16+$0x60];
	v24 =	vsel vm2, v24, v26;
	v51 =	vadd.f32 v28, v14;
	v52 =	vmul.f32 v18, v15  }
0x107: {  	v55 =	vld [tilespmem:s16+$0x70];
	[tilespmem:s16+$0xC400] =	vst v24;
	v21 =	vsel vm1, v21, v25;
	v53 =	vadd.f32 v29, v14;
	v54 =	vmul.f32 v17, v15  }
0x108: {  	[tilespmem:s16+$0xC410] =	vst v21;
	v56 =	vsel vm0, v20, v51;
	v57 =	vadd.f32 v52, v14;
	v58 =	vmul.f32 v16, v15  }
0x109: {  	[tilespmem:s16+$0xC420] =	vst v56;
	v59 =	vsel vm3, v19, v53;
	v60 =	vadd.f32 v54, v14;
	v15 =	vmul.f32 v27, v15  }
0x10a: {  	vm13 =	vge.f32 v49, $5.000000000e-01;
	[tilespmem:s16+$0xC430] =	vst v59;
	v61 =	vsel vm12, v18, v57;
	v62 =	vadd.f32 v58, v14  }
0x10b: {  	vm14 =	vge.f32 v50, $5.000000000e-01;
	[tilespmem:s16+$0xC440] =	vst v61;
	v63 =	vsel vm13, v17, v60;
	v14 =	vadd.f32 v15, v14  }
0x10c: {  	s14 =	sadd.s32 $0x1, s14;
	vm15 =	vge.f32 v55, $5.000000000e-01;
	[tilespmem:s16+$0xC450] =	vst v63;
	v15 =	vsel vm14, v16, v62  }
0x10d: {  	p0 =	sne.s32 s14, $0x18;
	[tilespmem:s16+$0xC460] =	vst v15;
	v14 =	vsel vm15, v27, v14  }
.Ltmp3:
0x10e: {  	s15 =	sadd.s32 s4, s15;
	[tilespmem:s16+$0xC470] =	vst v14;
	(pc) =	sbr.rel @p0 .LBB2_4-.Ltmp3, $4  }
0x10f: {  	[hbm4b:s15+s8] =	stream.strided.scatter [tilespmem:s12], [sflag:$0x1], $0xC400, s11, s8, $0x38;
	[tilespmem:$0x18800] =	vst v63  }
0x110: {  	_ =	swait.ge [sflag:s10], $0xC400  }
0x111: {  	[sflag:s10] =	ssyncset.done $0x0  }
0x112: {  	[sflag:s10] =	ssyncadd.s32 $0xFFFF3C00  }
0x113: {  	s13 =	sadd.s32 $0x1, s13  }
0x114: {  	p0 =	sne.s32 s13, s7  }
.Ltmp4:
0x115: {  	_ = 	snop;
	(pc) =	sbr.rel @p0 .LBB2_1-.Ltmp4, $1  }
0x116: {  	_ =	sdelay $0x3  }
0x117: {  	_ =	sfence.sel $0x180000  }
0x118: {  	[bflag:$0x0] =	sbarrier.arrive $0xFFFF  }
0x119: {  	p0 =	sne.s32 s2, $0x0;
	_ =	strace $0x90000047  }
0x11a: {  	s0 =	sadd.s32 @!p0 $0x100000, s1;
	[bflag:$0x2] =	sbarrier.arrive $0xFFFF  }
0x11b: {  	[sflag:s0] =	ssyncadd.tile.s32 @!p0 $0x1;
	_ =	shalt  }
.Lfunc_end2:
_tile_overlayer_lowered:
.L_overlay_start_2:
0x11c: {  	(tag) =	ssettag $0x2  }
0x11d: {  	s0 =	rddreg [dreg:$0x0];
	s2 =	stileid.u32  }
0x11e: {  	s1 =	rddreg [dreg:$0x1];
	p0 =	sne.s32 s2, $0x0  }
0x11f: {  	s3 =	rddreg [dreg:$0x2];
	[bflag:$0x3] =	sbarrier.arrive $0xFFFF;
	s2 =	simm.s32 @!p0 $0x1C01  }
0x120: {  	[timem:s3], [sflag:s2] =	dma.local @!p0 [hbm:s0], s1  }
0x121: {  	s0 =	simm.s32 @!p0 $0x1  }
0x122: {  	_ =	swait.ge @!p0 [sflag:s0], s1  }
0x123: {  	s1 =	ssub.s32 @!p0 $0x0, s1;
	[sflag:s0] =	ssyncset.done @!p0 $0x0  }
0x124: {  	[sflag:s0] =	ssyncadd.s32 @!p0 s1  }
0x125: {  	[bflag:$0x3] =	sbarrier.arrive $0xFFFF  }
0x126: {  	_ =	shalt  }

</sc_bundles>
